<compile_context>
chip_gen: v7x
topology: tpu7x:2x2x1
jax: 0.10.2.dev20260603
libtpu: 0.0.44.dev20260713+nightly
codegen_flags: <defaults>
</compile_context>

<pallas_src>
import functools

import jax
import jax.numpy as jnp
from jax import lax
from jax.experimental import pallas as pl
from jax.experimental.pallas import tpu as pltpu
from jax.experimental.pallas import tpu_sc as plsc

_NC = 2
_NS = 16
_NW = _NC * _NS
_L = 16
_TPAD = 160
_CHUNK = 8192


def _make_lookup(n_img, plane, n_imap):
    per_tile = (n_img * plane) // _NW
    tiles_per_img = plane // per_tile
    n_chunks = per_tile // _CHUNK
    assert per_tile % _CHUNK == 0 and plane % per_tile == 0

    mesh = plsc.VectorSubcoreMesh(core_axis_name="c", subcore_axis_name="s")

    @functools.partial(
        pl.kernel,
        out_type=jax.ShapeDtypeStruct((n_img * 3 * plane,), jnp.float32),
        mesh=mesh,
        compiler_params=pltpu.CompilerParams(needs_layout_passes=False),
        scratch_types=[
            pltpu.VMEM((_TPAD,), jnp.int32),
            pltpu.VMEM((216 * 3,), jnp.float32),
            pltpu.VMEM((_TPAD,), jnp.float32),
            pltpu.VMEM((_TPAD,), jnp.float32),
            pltpu.VMEM((_TPAD,), jnp.float32),
            pltpu.VMEM((_CHUNK,), jnp.int32),
            pltpu.VMEM((_CHUNK,), jnp.int32),
            pltpu.VMEM((_CHUNK,), jnp.float32),
            pltpu.VMEM((_CHUNK,), jnp.float32),
            pltpu.VMEM((_CHUNK,), jnp.float32),
            pltpu.VMEM((_CHUNK,), jnp.float32),
            pltpu.VMEM((_CHUNK,), jnp.float32),
            pltpu.VMEM((_CHUNK,), jnp.float32),
            pltpu.SemaphoreType.DMA,
            pltpu.SemaphoreType.DMA,
            pltpu.SemaphoreType.DMA,
            pltpu.SemaphoreType.DMA,
        ],
    )
    def lookup(mask_hbm, mesh_hbm, imap_hbm, out_hbm,
               imap_v, mesh_v, t0, t1, t2, mca, mcb,
               o0a, o1a, o2a, o0b, o1b, o2b, sia, sib, soa, sob):
        wid = lax.axis_index("s") * _NC + lax.axis_index("c")
        img = wid // tiles_per_img
        qoff = (wid % tiles_per_img) * per_tile
        masks = (mca, mcb)
        outs = ((o0a, o1a, o2a), (o0b, o1b, o2b))
        sin = (sia, sib)
        sout = (soa, sob)

        def start_in(k):
            q = qoff + k * _CHUNK
            return pltpu.async_copy(
                mask_hbm.at[pl.ds(img * plane + q, _CHUNK)],
                masks[k % 2], sin[k % 2])

        def start_out(k):
            q = qoff + k * _CHUNK
            return [
                pltpu.async_copy(
                    o, out_hbm.at[pl.ds((img * 3 + c) * plane + q, _CHUNK)],
                    sout[k % 2])
                for c, o in enumerate(outs[k % 2])
            ]

        hin = {0: start_in(0)}

        pltpu.sync_copy(imap_hbm, imap_v.at[pl.ds(0, n_imap)])
        pltpu.sync_copy(mesh_hbm, mesh_v)
        for g in range(_TPAD // _L):
            mi = imap_v[pl.ds(g * _L, _L)]
            mi3 = jnp.clip(mi, 0, 215) * 3
            for c, t in enumerate((t0, t1, t2)):
                t[pl.ds(g * _L, _L)] = plsc.load_gather(mesh_v, [mi3 + c])
        hout = {}
        for k in range(n_chunks):
            p = k % 2
            if k + 1 < n_chunks:
                hin[k + 1] = start_in(k + 1)
            hin[k].wait()
            if k >= 2:
                for h in hout[k - 2]:
                    h.wait()
            mask_c, (o0, o1, o2) = masks[p], outs[p]

            @plsc.parallel_loop(0, _CHUNK // _L, unroll=4)
            def group(g):
                sl = pl.ds(g * _L, _L)
                idx = mask_c[sl]
                o0[sl] = plsc.load_gather(t0, [idx])
                o1[sl] = plsc.load_gather(t1, [idx])
                o2[sl] = plsc.load_gather(t2, [idx])

            hout[k] = start_out(k)
        for k in (n_chunks - 2, n_chunks - 1):
            for h in hout[k]:
                h.wait()

    return lookup


def kernel(mask, mesh_weight, index_map):
    n_img, n_rows, n_cols = mask.shape
    plane = n_rows * n_cols
    mask_phys = (mask.reshape(n_img, n_rows // 8, 8, n_cols // 128, 128)
                 .transpose(0, 1, 3, 2, 4).reshape(-1))
    out_flat = _make_lookup(n_img, plane, index_map.shape[0])(
        mask_phys, mesh_weight.reshape(-1), index_map)
    out = (out_flat.reshape(n_img, 3, n_rows // 8, n_cols // 128, 8, 128)
           .transpose(0, 2, 4, 3, 5, 1).reshape(n_img, n_rows, n_cols, 3))
    return out

# --- scband reference (transcript-rebuilt; emitter-appended) ---
"""Pipeline reference for scband-mask-mesh-converter-16312285790671 (READ-ONLY COPY).

The authoritative reference and input builder live on the scoring server;
editing this copy changes nothing except your own understanding.
"""

import jax, jax.numpy as jnp
import numpy as np
import math


def _build_params():
    labels = list(range(150))
    mesh_dim = 3
    n = math.ceil(len(labels) ** (1.0 / mesh_dim))
    lin = np.linspace(0.0, 1.0, n, dtype=np.float32)
    grids = np.meshgrid(*([lin] * mesh_dim), indexing='ij')
    mesh = np.stack([g.reshape(-1) for g in grids], axis=-1)  # (n**mesh_dim, mesh_dim)
    mesh_weight = jnp.asarray(mesh, dtype=jnp.float32)
    index_map_np = np.full(max(labels) + 1, -1, dtype=np.int32)
    for i, x in enumerate(labels):
        index_map_np[x] = i
    index_map = jnp.asarray(index_map_np)
    return mesh_weight, index_map


def setup_inputs(seed: int = 0) -> dict:
    key = jax.random.key(seed)
    mesh_weight, index_map = _build_params()
    mask = jax.random.randint(key, (8, 512, 512), 0, 150, dtype=jnp.int32)
    return {"mask": mask, "mesh_weight": mesh_weight, "index_map": index_map}


def reference(mask, mesh_weight, index_map):
    # index_mask_to_nd_mesh: mesh_idx_mask = index_map[mask]; embedding lookup; detach
    mesh_idx_mask = jnp.take(index_map, mask, axis=0)
    embedding = jnp.take(mesh_weight, mesh_idx_mask, axis=0)
    return jax.lax.stop_gradient(embedding)

if __name__ == "__main__":
    import jax
    _d = setup_inputs()
    print(jax.jit(kernel)(*tuple(_d.values())))

</pallas_src>

<mosaic_0001>
#map = affine_map<(d0, d1) -> (0)>
module attributes {stable_mosaic.version = 14 : i64} {
  func.func @lookup(%arg0: i32, %arg1: i32, %arg2: memref<2097152xi32, #tpu.memory_space<hbm>>, %arg3: memref<648xf32, #tpu.memory_space<hbm>>, %arg4: memref<150xi32, #tpu.memory_space<hbm>>, %arg5: memref<6291456xf32, #tpu.memory_space<hbm>>, %arg6: memref<160xi32, #tpu.memory_space<vmem>>, %arg7: memref<648xf32, #tpu.memory_space<vmem>>, %arg8: memref<160xf32, #tpu.memory_space<vmem>>, %arg9: memref<160xf32, #tpu.memory_space<vmem>>, %arg10: memref<160xf32, #tpu.memory_space<vmem>>, %arg11: memref<8192xi32, #tpu.memory_space<vmem>>, %arg12: memref<8192xi32, #tpu.memory_space<vmem>>, %arg13: memref<8192xf32, #tpu.memory_space<vmem>>, %arg14: memref<8192xf32, #tpu.memory_space<vmem>>, %arg15: memref<8192xf32, #tpu.memory_space<vmem>>, %arg16: memref<8192xf32, #tpu.memory_space<vmem>>, %arg17: memref<8192xf32, #tpu.memory_space<vmem>>, %arg18: memref<8192xf32, #tpu.memory_space<vmem>>, %arg19: memref<!tpu.dma_semaphore, #tpu.memory_space<semaphore_mem>>, %arg20: memref<!tpu.dma_semaphore, #tpu.memory_space<semaphore_mem>>, %arg21: memref<!tpu.dma_semaphore, #tpu.memory_space<semaphore_mem>>, %arg22: memref<!tpu.dma_semaphore, #tpu.memory_space<semaphore_mem>>) attributes {dimension_semantics = [#tpu.dimension_semantics<core_parallel>, #tpu.dimension_semantics<subcore_parallel>], iteration_bounds = array<i64: 2, 16>, scalar_prefetch = 0 : i64, scratch_operands = 17 : i64, tpu.core_type = #tpu.core_type<sc_vector_subcore>, window_params = [{transform_indices = #map}, {transform_indices = #map}, {transform_indices = #map}, {transform_indices = #map}]} {
    %mul3A = arith.constant 2 : i32
    %mul3A_0 = arith.muli %arg1, %mul3A : i32
    %add3A = arith.addi %mul3A_0, %arg0 : i32
    %jit3A = arith.constant 4 : i32
    %div3A = arith.divsi %add3A, %jit3A : i32
    %sign3A = arith.constant 0 : i32
    %sign3A_1 = arith.cmpi sgt, %add3A, %sign3A : i32
    %sign3A_2 = arith.extui %sign3A_1 : i1 to i32
    %sign3A_3 = arith.constant 0 : i32
    %sign3A_4 = arith.cmpi slt, %add3A, %sign3A_3 : i32
    %sign3A_5 = arith.extui %sign3A_4 : i1 to i32
    %sign3A_6 = arith.subi %sign3A_2, %sign3A_5 : i32
    %sign3A_7 = arith.constant 0 : i32
    %sign3A_8 = arith.cmpi sgt, %jit3A, %sign3A_7 : i32
    %sign3A_9 = arith.extui %sign3A_8 : i1 to i32
    %sign3A_10 = arith.constant 0 : i32
    %sign3A_11 = arith.cmpi slt, %jit3A, %sign3A_10 : i32
    %sign3A_12 = arith.extui %sign3A_11 : i1 to i32
    %sign3A_13 = arith.subi %sign3A_9, %sign3A_12 : i32
    %ne3A = arith.cmpi ne, %sign3A_6, %sign3A_13 : i32
    %rem3A = arith.remsi %add3A, %jit3A : i32
    %ne3A_14 = arith.constant 0 : i32
    %ne3A_15 = arith.cmpi ne, %rem3A, %ne3A_14 : i32
    %and3A = arith.andi %ne3A, %ne3A_15 : i1
    %sub3A = arith.constant 1 : i32
    %sub3A_16 = arith.subi %div3A, %sub3A : i32
    %select_n3A = arith.select %and3A, %sub3A_16, %div3A : i32
    %jit3A_17 = arith.constant 4 : i32
    %eq3A = arith.constant 0 : i32
    %eq3A_18 = arith.cmpi eq, %jit3A_17, %eq3A : i32
    %jit3A_19 = arith.constant 1 : i32
    %select_n3A_20 = arith.select %eq3A_18, %jit3A_19, %jit3A_17 : i32
    %rem3A_21 = arith.remsi %add3A, %select_n3A_20 : i32
    %ne3A_22 = arith.constant 0 : i32
    %ne3A_23 = arith.cmpi ne, %rem3A_21, %ne3A_22 : i32
    %lt3A = arith.constant 0 : i32
    %lt3A_24 = arith.cmpi slt, %rem3A_21, %lt3A : i32
    %lt3A_25 = arith.constant 0 : i32
    %lt3A_26 = arith.cmpi slt, %select_n3A_20, %lt3A_25 : i32
    %ne3A_27 = arith.xori %lt3A_24, %lt3A_26 : i1
    %and3A_28 = arith.andi %ne3A_27, %ne3A_23 : i1
    %add3A_29 = arith.addi %rem3A_21, %select_n3A_20 : i32
    %select_n3A_30 = arith.select %and3A_28, %add3A_29, %rem3A_21 : i32
    %mul3A_31 = arith.constant 65536 : i32
    %mul3A_32 = arith.muli %select_n3A_30, %mul3A_31 : i32
    %add3A_33 = arith.constant 0 : i32
    %add3A_34 = arith.addi %mul3A_32, %add3A_33 : i32
    %mul3A_35 = arith.constant 262144 : i32
    %mul3A_36 = arith.muli %select_n3A, %mul3A_35 : i32
    %add3A_37 = arith.addi %mul3A_36, %add3A_34 : i32
    %dma_start3A = tpu.memref_slice %arg2[%add3A_37] : memref<2097152xi32, #tpu.memory_space<hbm>> -> memref<8192xi32, #tpu.memory_space<hbm>>
    %dma_start3A_38 = tpu.memref_slice %arg2[%add3A_37] : memref<2097152xi32, #tpu.memory_space<hbm>> -> memref<8192xi32, #tpu.memory_space<hbm>>
    tpu.enqueue_dma source(%dma_start3A_38 : memref<8192xi32, #tpu.memory_space<hbm>>) target(%arg11 : memref<8192xi32, #tpu.memory_space<vmem>>) target_semaphore(%arg19 : memref<!tpu.dma_semaphore, #tpu.memory_space<semaphore_mem>>)
    "tpu.region"() ({
      %run_scoped3A = tpu.sem_alloc : memref<!tpu.dma_semaphore, #tpu.memory_space<semaphore_mem>>
      %dma_start3A_691 = arith.constant 0 : i32
      %dma_start3A_692 = tpu.memref_slice %arg6[%dma_start3A_691] : memref<160xi32, #tpu.memory_space<vmem>> -> memref<150xi32, #tpu.memory_space<vmem>>
      %dma_start3A_693 = arith.constant 0 : i32
      %dma_start3A_694 = tpu.memref_slice %arg6[%dma_start3A_693] : memref<160xi32, #tpu.memory_space<vmem>> -> memref<150xi32, #tpu.memory_space<vmem>>
      tpu.enqueue_dma source(%arg4 : memref<150xi32, #tpu.memory_space<hbm>>) target(%dma_start3A_694 : memref<150xi32, #tpu.memory_space<vmem>>) target_semaphore(%run_scoped3A : memref<!tpu.dma_semaphore, #tpu.memory_space<semaphore_mem>>)
      %dma_wait3A_695 = arith.constant 0 : i32
      %dma_wait3A_696 = tpu.memref_slice %arg6[%dma_wait3A_695] : memref<160xi32, #tpu.memory_space<vmem>> -> memref<150xi32, #tpu.memory_space<vmem>>
      %dma_wait3A_697 = arith.constant 0 : i32
      %dma_wait3A_698 = tpu.memref_slice %arg6[%dma_wait3A_697] : memref<160xi32, #tpu.memory_space<vmem>> -> memref<150xi32, #tpu.memory_space<vmem>>
      tpu.wait_dma2 semaphore(%run_scoped3A : memref<!tpu.dma_semaphore, #tpu.memory_space<semaphore_mem>>) src(%arg4 : memref<150xi32, #tpu.memory_space<hbm>>) dst(%dma_wait3A_698 : memref<150xi32, #tpu.memory_space<vmem>>)
      tpu.yield
    }) : () -> ()
    "tpu.region"() ({
      %run_scoped3A = tpu.sem_alloc : memref<!tpu.dma_semaphore, #tpu.memory_space<semaphore_mem>>
      tpu.enqueue_dma source(%arg3 : memref<648xf32, #tpu.memory_space<hbm>>) target(%arg7 : memref<648xf32, #tpu.memory_space<vmem>>) target_semaphore(%run_scoped3A : memref<!tpu.dma_semaphore, #tpu.memory_space<semaphore_mem>>)
      tpu.wait_dma2 semaphore(%run_scoped3A : memref<!tpu.dma_semaphore, #tpu.memory_space<semaphore_mem>>) src(%arg3 : memref<648xf32, #tpu.memory_space<hbm>>) dst(%arg7 : memref<648xf32, #tpu.memory_space<vmem>>)
      tpu.yield
    }) : () -> ()
    %get3A = arith.constant 0 : index
    %get3A_39 = tpu.vector_load %arg6[%get3A] {strides = array<i32>} : memref<160xi32, #tpu.memory_space<vmem>>, vector<16xi32>,
    %jit3A_40 = arith.constant 0 : i32
    %jit3A_41 = arith.constant 215 : i32
    %max3A = vector.broadcast %jit3A_40 : i32 to vector<16xi32>
    %max3A_42 = arith.maxsi %max3A, %get3A_39 : vector<16xi32>
    %min3A = vector.broadcast %jit3A_41 : i32 to vector<16xi32>
    %min3A_43 = arith.minsi %min3A, %max3A_42 : vector<16xi32>
    %mul3A_44 = arith.constant 3 : i32
    %mul3A_45 = vector.broadcast %mul3A_44 : i32 to vector<16xi32>
    %mul3A_46 = arith.muli %min3A_43, %mul3A_45 : vector<16xi32>
    %add3A_47 = arith.constant 0 : i32
    %add3A_48 = vector.broadcast %add3A_47 : i32 to vector<16xi32>
    %add3A_49 = arith.addi %mul3A_46, %add3A_48 : vector<16xi32>
    %gather3A = tpu.vector_load_idx %arg7[%add3A_49] : memref<648xf32, #tpu.memory_space<vmem>>[vector<16xi32>], vector<16xf32>,
    %swap3A = arith.constant 0 : index
    %swap3A_50 = tpu.vector_load %arg8[%swap3A] {strides = array<i32>} : memref<160xf32, #tpu.memory_space<vmem>>, vector<16xf32>,
    tpu.vector_store %arg8[%swap3A], %gather3A {strides = array<i32>} : memref<160xf32, #tpu.memory_space<vmem>>, vector<16xf32>,
    %add3A_51 = arith.constant 1 : i32
    %add3A_52 = vector.broadcast %add3A_51 : i32 to vector<16xi32>
    %add3A_53 = arith.addi %mul3A_46, %add3A_52 : vector<16xi32>
    %gather3A_54 = tpu.vector_load_idx %arg7[%add3A_53] : memref<648xf32, #tpu.memory_space<vmem>>[vector<16xi32>], vector<16xf32>,
    %swap3A_55 = arith.constant 0 : index
    %swap3A_56 = tpu.vector_load %arg9[%swap3A_55] {strides = array<i32>} : memref<160xf32, #tpu.memory_space<vmem>>, vector<16xf32>,
    tpu.vector_store %arg9[%swap3A_55], %gather3A_54 {strides = array<i32>} : memref<160xf32, #tpu.memory_space<vmem>>, vector<16xf32>,
    %add3A_57 = arith.constant 2 : i32
    %add3A_58 = vector.broadcast %add3A_57 : i32 to vector<16xi32>
    %add3A_59 = arith.addi %mul3A_46, %add3A_58 : vector<16xi32>
    %gather3A_60 = tpu.vector_load_idx %arg7[%add3A_59] : memref<648xf32, #tpu.memory_space<vmem>>[vector<16xi32>], vector<16xf32>,
    %swap3A_61 = arith.constant 0 : index
    %swap3A_62 = tpu.vector_load %arg10[%swap3A_61] {strides = array<i32>} : memref<160xf32, #tpu.memory_space<vmem>>, vector<16xf32>,
    tpu.vector_store %arg10[%swap3A_61], %gather3A_60 {strides = array<i32>} : memref<160xf32, #tpu.memory_space<vmem>>, vector<16xf32>,
    %get3A_63 = arith.constant 16 : index
    %get3A_64 = tpu.vector_load %arg6[%get3A_63] {strides = array<i32>} : memref<160xi32, #tpu.memory_space<vmem>>, vector<16xi32>,
    %jit3A_65 = arith.constant 0 : i32
    %jit3A_66 = arith.constant 215 : i32
    %max3A_67 = vector.broadcast %jit3A_65 : i32 to vector<16xi32>
    %max3A_68 = arith.maxsi %max3A_67, %get3A_64 : vector<16xi32>
    %min3A_69 = vector.broadcast %jit3A_66 : i32 to vector<16xi32>
    %min3A_70 = arith.minsi %min3A_69, %max3A_68 : vector<16xi32>
    %mul3A_71 = arith.constant 3 : i32
    %mul3A_72 = vector.broadcast %mul3A_71 : i32 to vector<16xi32>
    %mul3A_73 = arith.muli %min3A_70, %mul3A_72 : vector<16xi32>
    %add3A_74 = arith.constant 0 : i32
    %add3A_75 = vector.broadcast %add3A_74 : i32 to vector<16xi32>
    %add3A_76 = arith.addi %mul3A_73, %add3A_75 : vector<16xi32>
    %gather3A_77 = tpu.vector_load_idx %arg7[%add3A_76] : memref<648xf32, #tpu.memory_space<vmem>>[vector<16xi32>], vector<16xf32>,
    %swap3A_78 = arith.constant 16 : index
    %swap3A_79 = tpu.vector_load %arg8[%swap3A_78] {strides = array<i32>} : memref<160xf32, #tpu.memory_space<vmem>>, vector<16xf32>,
    tpu.vector_store %arg8[%swap3A_78], %gather3A_77 {strides = array<i32>} : memref<160xf32, #tpu.memory_space<vmem>>, vector<16xf32>,
    %add3A_80 = arith.constant 1 : i32
    %add3A_81 = vector.broadcast %add3A_80 : i32 to vector<16xi32>
    %add3A_82 = arith.addi %mul3A_73, %add3A_81 : vector<16xi32>
    %gather3A_83 = tpu.vector_load_idx %arg7[%add3A_82] : memref<648xf32, #tpu.memory_space<vmem>>[vector<16xi32>], vector<16xf32>,
    %swap3A_84 = arith.constant 16 : index
    %swap3A_85 = tpu.vector_load %arg9[%swap3A_84] {strides = array<i32>} : memref<160xf32, #tpu.memory_space<vmem>>, vector<16xf32>,
    tpu.vector_store %arg9[%swap3A_84], %gather3A_83 {strides = array<i32>} : memref<160xf32, #tpu.memory_space<vmem>>, vector<16xf32>,
    %add3A_86 = arith.constant 2 : i32
    %add3A_87 = vector.broadcast %add3A_86 : i32 to vector<16xi32>
    %add3A_88 = arith.addi %mul3A_73, %add3A_87 : vector<16xi32>
    %gather3A_89 = tpu.vector_load_idx %arg7[%add3A_88] : memref<648xf32, #tpu.memory_space<vmem>>[vector<16xi32>], vector<16xf32>,
    %swap3A_90 = arith.constant 16 : index
    %swap3A_91 = tpu.vector_load %arg10[%swap3A_90] {strides = array<i32>} : memref<160xf32, #tpu.memory_space<vmem>>, vector<16xf32>,
    tpu.vector_store %arg10[%swap3A_90], %gather3A_89 {strides = array<i32>} : memref<160xf32, #tpu.memory_space<vmem>>, vector<16xf32>,
    %get3A_92 = arith.constant 32 : index
    %get3A_93 = tpu.vector_load %arg6[%get3A_92] {strides = array<i32>} : memref<160xi32, #tpu.memory_space<vmem>>, vector<16xi32>,
    %jit3A_94 = arith.constant 0 : i32
    %jit3A_95 = arith.constant 215 : i32
    %max3A_96 = vector.broadcast %jit3A_94 : i32 to vector<16xi32>
    %max3A_97 = arith.maxsi %max3A_96, %get3A_93 : vector<16xi32>
    %min3A_98 = vector.broadcast %jit3A_95 : i32 to vector<16xi32>
    %min3A_99 = arith.minsi %min3A_98, %max3A_97 : vector<16xi32>
    %mul3A_100 = arith.constant 3 : i32
    %mul3A_101 = vector.broadcast %mul3A_100 : i32 to vector<16xi32>
    %mul3A_102 = arith.muli %min3A_99, %mul3A_101 : vector<16xi32>
    %add3A_103 = arith.constant 0 : i32
    %add3A_104 = vector.broadcast %add3A_103 : i32 to vector<16xi32>
    %add3A_105 = arith.addi %mul3A_102, %add3A_104 : vector<16xi32>
    %gather3A_106 = tpu.vector_load_idx %arg7[%add3A_105] : memref<648xf32, #tpu.memory_space<vmem>>[vector<16xi32>], vector<16xf32>,
    %swap3A_107 = arith.constant 32 : index
    %swap3A_108 = tpu.vector_load %arg8[%swap3A_107] {strides = array<i32>} : memref<160xf32, #tpu.memory_space<vmem>>, vector<16xf32>,
    tpu.vector_store %arg8[%swap3A_107], %gather3A_106 {strides = array<i32>} : memref<160xf32, #tpu.memory_space<vmem>>, vector<16xf32>,
    %add3A_109 = arith.constant 1 : i32
    %add3A_110 = vector.broadcast %add3A_109 : i32 to vector<16xi32>
    %add3A_111 = arith.addi %mul3A_102, %add3A_110 : vector<16xi32>
    %gather3A_112 = tpu.vector_load_idx %arg7[%add3A_111] : memref<648xf32, #tpu.memory_space<vmem>>[vector<16xi32>], vector<16xf32>,
    %swap3A_113 = arith.constant 32 : index
    %swap3A_114 = tpu.vector_load %arg9[%swap3A_113] {strides = array<i32>} : memref<160xf32, #tpu.memory_space<vmem>>, vector<16xf32>,
    tpu.vector_store %arg9[%swap3A_113], %gather3A_112 {strides = array<i32>} : memref<160xf32, #tpu.memory_space<vmem>>, vector<16xf32>,
    %add3A_115 = arith.constant 2 : i32
    %add3A_116 = vector.broadcast %add3A_115 : i32 to vector<16xi32>
    %add3A_117 = arith.addi %mul3A_102, %add3A_116 : vector<16xi32>
    %gather3A_118 = tpu.vector_load_idx %arg7[%add3A_117] : memref<648xf32, #tpu.memory_space<vmem>>[vector<16xi32>], vector<16xf32>,
    %swap3A_119 = arith.constant 32 : index
    %swap3A_120 = tpu.vector_load %arg10[%swap3A_119] {strides = array<i32>} : memref<160xf32, #tpu.memory_space<vmem>>, vector<16xf32>,
    tpu.vector_store %arg10[%swap3A_119], %gather3A_118 {strides = array<i32>} : memref<160xf32, #tpu.memory_space<vmem>>, vector<16xf32>,
    %get3A_121 = arith.constant 48 : index
    %get3A_122 = tpu.vector_load %arg6[%get3A_121] {strides = array<i32>} : memref<160xi32, #tpu.memory_space<vmem>>, vector<16xi32>,
    %jit3A_123 = arith.constant 0 : i32
    %jit3A_124 = arith.constant 215 : i32
    %max3A_125 = vector.broadcast %jit3A_123 : i32 to vector<16xi32>
    %max3A_126 = arith.maxsi %max3A_125, %get3A_122 : vector<16xi32>
    %min3A_127 = vector.broadcast %jit3A_124 : i32 to vector<16xi32>
    %min3A_128 = arith.minsi %min3A_127, %max3A_126 : vector<16xi32>
    %mul3A_129 = arith.constant 3 : i32
    %mul3A_130 = vector.broadcast %mul3A_129 : i32 to vector<16xi32>
    %mul3A_131 = arith.muli %min3A_128, %mul3A_130 : vector<16xi32>
    %add3A_132 = arith.constant 0 : i32
    %add3A_133 = vector.broadcast %add3A_132 : i32 to vector<16xi32>
    %add3A_134 = arith.addi %mul3A_131, %add3A_133 : vector<16xi32>
    %gather3A_135 = tpu.vector_load_idx %arg7[%add3A_134] : memref<648xf32, #tpu.memory_space<vmem>>[vector<16xi32>], vector<16xf32>,
    %swap3A_136 = arith.constant 48 : index
    %swap3A_137 = tpu.vector_load %arg8[%swap3A_136] {strides = array<i32>} : memref<160xf32, #tpu.memory_space<vmem>>, vector<16xf32>,
    tpu.vector_store %arg8[%swap3A_136], %gather3A_135 {strides = array<i32>} : memref<160xf32, #tpu.memory_space<vmem>>, vector<16xf32>,
    %add3A_138 = arith.constant 1 : i32
    %add3A_139 = vector.broadcast %add3A_138 : i32 to vector<16xi32>
    %add3A_140 = arith.addi %mul3A_131, %add3A_139 : vector<16xi32>
    %gather3A_141 = tpu.vector_load_idx %arg7[%add3A_140] : memref<648xf32, #tpu.memory_space<vmem>>[vector<16xi32>], vector<16xf32>,
    %swap3A_142 = arith.constant 48 : index
    %swap3A_143 = tpu.vector_load %arg9[%swap3A_142] {strides = array<i32>} : memref<160xf32, #tpu.memory_space<vmem>>, vector<16xf32>,
    tpu.vector_store %arg9[%swap3A_142], %gather3A_141 {strides = array<i32>} : memref<160xf32, #tpu.memory_space<vmem>>, vector<16xf32>,
    %add3A_144 = arith.constant 2 : i32
    %add3A_145 = vector.broadcast %add3A_144 : i32 to vector<16xi32>
    %add3A_146 = arith.addi %mul3A_131, %add3A_145 : vector<16xi32>
    %gather3A_147 = tpu.vector_load_idx %arg7[%add3A_146] : memref<648xf32, #tpu.memory_space<vmem>>[vector<16xi32>], vector<16xf32>,
    %swap3A_148 = arith.constant 48 : index
    %swap3A_149 = tpu.vector_load %arg10[%swap3A_148] {strides = array<i32>} : memref<160xf32, #tpu.memory_space<vmem>>, vector<16xf32>,
    tpu.vector_store %arg10[%swap3A_148], %gather3A_147 {strides = array<i32>} : memref<160xf32, #tpu.memory_space<vmem>>, vector<16xf32>,
    %get3A_150 = arith.constant 64 : index
    %get3A_151 = tpu.vector_load %arg6[%get3A_150] {strides = array<i32>} : memref<160xi32, #tpu.memory_space<vmem>>, vector<16xi32>,
    %jit3A_152 = arith.constant 0 : i32
    %jit3A_153 = arith.constant 215 : i32
    %max3A_154 = vector.broadcast %jit3A_152 : i32 to vector<16xi32>
    %max3A_155 = arith.maxsi %max3A_154, %get3A_151 : vector<16xi32>
    %min3A_156 = vector.broadcast %jit3A_153 : i32 to vector<16xi32>
    %min3A_157 = arith.minsi %min3A_156, %max3A_155 : vector<16xi32>
    %mul3A_158 = arith.constant 3 : i32
    %mul3A_159 = vector.broadcast %mul3A_158 : i32 to vector<16xi32>
    %mul3A_160 = arith.muli %min3A_157, %mul3A_159 : vector<16xi32>
    %add3A_161 = arith.constant 0 : i32
    %add3A_162 = vector.broadcast %add3A_161 : i32 to vector<16xi32>
    %add3A_163 = arith.addi %mul3A_160, %add3A_162 : vector<16xi32>
    %gather3A_164 = tpu.vector_load_idx %arg7[%add3A_163] : memref<648xf32, #tpu.memory_space<vmem>>[vector<16xi32>], vector<16xf32>,
    %swap3A_165 = arith.constant 64 : index
    %swap3A_166 = tpu.vector_load %arg8[%swap3A_165] {strides = array<i32>} : memref<160xf32, #tpu.memory_space<vmem>>, vector<16xf32>,
    tpu.vector_store %arg8[%swap3A_165], %gather3A_164 {strides = array<i32>} : memref<160xf32, #tpu.memory_space<vmem>>, vector<16xf32>,
    %add3A_167 = arith.constant 1 : i32
    %add3A_168 = vector.broadcast %add3A_167 : i32 to vector<16xi32>
    %add3A_169 = arith.addi %mul3A_160, %add3A_168 : vector<16xi32>
    %gather3A_170 = tpu.vector_load_idx %arg7[%add3A_169] : memref<648xf32, #tpu.memory_space<vmem>>[vector<16xi32>], vector<16xf32>,
    %swap3A_171 = arith.constant 64 : index
    %swap3A_172 = tpu.vector_load %arg9[%swap3A_171] {strides = array<i32>} : memref<160xf32, #tpu.memory_space<vmem>>, vector<16xf32>,
    tpu.vector_store %arg9[%swap3A_171], %gather3A_170 {strides = array<i32>} : memref<160xf32, #tpu.memory_space<vmem>>, vector<16xf32>,
    %add3A_173 = arith.constant 2 : i32
    %add3A_174 = vector.broadcast %add3A_173 : i32 to vector<16xi32>
    %add3A_175 = arith.addi %mul3A_160, %add3A_174 : vector<16xi32>
    %gather3A_176 = tpu.vector_load_idx %arg7[%add3A_175] : memref<648xf32, #tpu.memory_space<vmem>>[vector<16xi32>], vector<16xf32>,
    %swap3A_177 = arith.constant 64 : index
    %swap3A_178 = tpu.vector_load %arg10[%swap3A_177] {strides = array<i32>} : memref<160xf32, #tpu.memory_space<vmem>>, vector<16xf32>,
    tpu.vector_store %arg10[%swap3A_177], %gather3A_176 {strides = array<i32>} : memref<160xf32, #tpu.memory_space<vmem>>, vector<16xf32>,
    %get3A_179 = arith.constant 80 : index
    %get3A_180 = tpu.vector_load %arg6[%get3A_179] {strides = array<i32>} : memref<160xi32, #tpu.memory_space<vmem>>, vector<16xi32>,
    %jit3A_181 = arith.constant 0 : i32
    %jit3A_182 = arith.constant 215 : i32
    %max3A_183 = vector.broadcast %jit3A_181 : i32 to vector<16xi32>
    %max3A_184 = arith.maxsi %max3A_183, %get3A_180 : vector<16xi32>
    %min3A_185 = vector.broadcast %jit3A_182 : i32 to vector<16xi32>
    %min3A_186 = arith.minsi %min3A_185, %max3A_184 : vector<16xi32>
    %mul3A_187 = arith.constant 3 : i32
    %mul3A_188 = vector.broadcast %mul3A_187 : i32 to vector<16xi32>
    %mul3A_189 = arith.muli %min3A_186, %mul3A_188 : vector<16xi32>
    %add3A_190 = arith.constant 0 : i32
    %add3A_191 = vector.broadcast %add3A_190 : i32 to vector<16xi32>
    %add3A_192 = arith.addi %mul3A_189, %add3A_191 : vector<16xi32>
    %gather3A_193 = tpu.vector_load_idx %arg7[%add3A_192] : memref<648xf32, #tpu.memory_space<vmem>>[vector<16xi32>], vector<16xf32>,
    %swap3A_194 = arith.constant 80 : index
    %swap3A_195 = tpu.vector_load %arg8[%swap3A_194] {strides = array<i32>} : memref<160xf32, #tpu.memory_space<vmem>>, vector<16xf32>,
    tpu.vector_store %arg8[%swap3A_194], %gather3A_193 {strides = array<i32>} : memref<160xf32, #tpu.memory_space<vmem>>, vector<16xf32>,
    %add3A_196 = arith.constant 1 : i32
    %add3A_197 = vector.broadcast %add3A_196 : i32 to vector<16xi32>
    %add3A_198 = arith.addi %mul3A_189, %add3A_197 : vector<16xi32>
    %gather3A_199 = tpu.vector_load_idx %arg7[%add3A_198] : memref<648xf32, #tpu.memory_space<vmem>>[vector<16xi32>], vector<16xf32>,
    %swap3A_200 = arith.constant 80 : index
    %swap3A_201 = tpu.vector_load %arg9[%swap3A_200] {strides = array<i32>} : memref<160xf32, #tpu.memory_space<vmem>>, vector<16xf32>,
    tpu.vector_store %arg9[%swap3A_200], %gather3A_199 {strides = array<i32>} : memref<160xf32, #tpu.memory_space<vmem>>, vector<16xf32>,
    %add3A_202 = arith.constant 2 : i32
    %add3A_203 = vector.broadcast %add3A_202 : i32 to vector<16xi32>
    %add3A_204 = arith.addi %mul3A_189, %add3A_203 : vector<16xi32>
    %gather3A_205 = tpu.vector_load_idx %arg7[%add3A_204] : memref<648xf32, #tpu.memory_space<vmem>>[vector<16xi32>], vector<16xf32>,
    %swap3A_206 = arith.constant 80 : index
    %swap3A_207 = tpu.vector_load %arg10[%swap3A_206] {strides = array<i32>} : memref<160xf32, #tpu.memory_space<vmem>>, vector<16xf32>,
    tpu.vector_store %arg10[%swap3A_206], %gather3A_205 {strides = array<i32>} : memref<160xf32, #tpu.memory_space<vmem>>, vector<16xf32>,
    %get3A_208 = arith.constant 96 : index
    %get3A_209 = tpu.vector_load %arg6[%get3A_208] {strides = array<i32>} : memref<160xi32, #tpu.memory_space<vmem>>, vector<16xi32>,
    %jit3A_210 = arith.constant 0 : i32
    %jit3A_211 = arith.constant 215 : i32
    %max3A_212 = vector.broadcast %jit3A_210 : i32 to vector<16xi32>
    %max3A_213 = arith.maxsi %max3A_212, %get3A_209 : vector<16xi32>
    %min3A_214 = vector.broadcast %jit3A_211 : i32 to vector<16xi32>
    %min3A_215 = arith.minsi %min3A_214, %max3A_213 : vector<16xi32>
    %mul3A_216 = arith.constant 3 : i32
    %mul3A_217 = vector.broadcast %mul3A_216 : i32 to vector<16xi32>
    %mul3A_218 = arith.muli %min3A_215, %mul3A_217 : vector<16xi32>
    %add3A_219 = arith.constant 0 : i32
    %add3A_220 = vector.broadcast %add3A_219 : i32 to vector<16xi32>
    %add3A_221 = arith.addi %mul3A_218, %add3A_220 : vector<16xi32>
    %gather3A_222 = tpu.vector_load_idx %arg7[%add3A_221] : memref<648xf32, #tpu.memory_space<vmem>>[vector<16xi32>], vector<16xf32>,
    %swap3A_223 = arith.constant 96 : index
    %swap3A_224 = tpu.vector_load %arg8[%swap3A_223] {strides = array<i32>} : memref<160xf32, #tpu.memory_space<vmem>>, vector<16xf32>,
    tpu.vector_store %arg8[%swap3A_223], %gather3A_222 {strides = array<i32>} : memref<160xf32, #tpu.memory_space<vmem>>, vector<16xf32>,
    %add3A_225 = arith.constant 1 : i32
    %add3A_226 = vector.broadcast %add3A_225 : i32 to vector<16xi32>
    %add3A_227 = arith.addi %mul3A_218, %add3A_226 : vector<16xi32>
    %gather3A_228 = tpu.vector_load_idx %arg7[%add3A_227] : memref<648xf32, #tpu.memory_space<vmem>>[vector<16xi32>], vector<16xf32>,
    %swap3A_229 = arith.constant 96 : index
    %swap3A_230 = tpu.vector_load %arg9[%swap3A_229] {strides = array<i32>} : memref<160xf32, #tpu.memory_space<vmem>>, vector<16xf32>,
    tpu.vector_store %arg9[%swap3A_229], %gather3A_228 {strides = array<i32>} : memref<160xf32, #tpu.memory_space<vmem>>, vector<16xf32>,
    %add3A_231 = arith.constant 2 : i32
    %add3A_232 = vector.broadcast %add3A_231 : i32 to vector<16xi32>
    %add3A_233 = arith.addi %mul3A_218, %add3A_232 : vector<16xi32>
    %gather3A_234 = tpu.vector_load_idx %arg7[%add3A_233] : memref<648xf32, #tpu.memory_space<vmem>>[vector<16xi32>], vector<16xf32>,
    %swap3A_235 = arith.constant 96 : index
    %swap3A_236 = tpu.vector_load %arg10[%swap3A_235] {strides = array<i32>} : memref<160xf32, #tpu.memory_space<vmem>>, vector<16xf32>,
    tpu.vector_store %arg10[%swap3A_235], %gather3A_234 {strides = array<i32>} : memref<160xf32, #tpu.memory_space<vmem>>, vector<16xf32>,
    %get3A_237 = arith.constant 112 : index
    %get3A_238 = tpu.vector_load %arg6[%get3A_237] {strides = array<i32>} : memref<160xi32, #tpu.memory_space<vmem>>, vector<16xi32>,
    %jit3A_239 = arith.constant 0 : i32
    %jit3A_240 = arith.constant 215 : i32
    %max3A_241 = vector.broadcast %jit3A_239 : i32 to vector<16xi32>
    %max3A_242 = arith.maxsi %max3A_241, %get3A_238 : vector<16xi32>
    %min3A_243 = vector.broadcast %jit3A_240 : i32 to vector<16xi32>
    %min3A_244 = arith.minsi %min3A_243, %max3A_242 : vector<16xi32>
    %mul3A_245 = arith.constant 3 : i32
    %mul3A_246 = vector.broadcast %mul3A_245 : i32 to vector<16xi32>
    %mul3A_247 = arith.muli %min3A_244, %mul3A_246 : vector<16xi32>
    %add3A_248 = arith.constant 0 : i32
    %add3A_249 = vector.broadcast %add3A_248 : i32 to vector<16xi32>
    %add3A_250 = arith.addi %mul3A_247, %add3A_249 : vector<16xi32>
    %gather3A_251 = tpu.vector_load_idx %arg7[%add3A_250] : memref<648xf32, #tpu.memory_space<vmem>>[vector<16xi32>], vector<16xf32>,
    %swap3A_252 = arith.constant 112 : index
    %swap3A_253 = tpu.vector_load %arg8[%swap3A_252] {strides = array<i32>} : memref<160xf32, #tpu.memory_space<vmem>>, vector<16xf32>,
    tpu.vector_store %arg8[%swap3A_252], %gather3A_251 {strides = array<i32>} : memref<160xf32, #tpu.memory_space<vmem>>, vector<16xf32>,
    %add3A_254 = arith.constant 1 : i32
    %add3A_255 = vector.broadcast %add3A_254 : i32 to vector<16xi32>
    %add3A_256 = arith.addi %mul3A_247, %add3A_255 : vector<16xi32>
    %gather3A_257 = tpu.vector_load_idx %arg7[%add3A_256] : memref<648xf32, #tpu.memory_space<vmem>>[vector<16xi32>], vector<16xf32>,
    %swap3A_258 = arith.constant 112 : index
    %swap3A_259 = tpu.vector_load %arg9[%swap3A_258] {strides = array<i32>} : memref<160xf32, #tpu.memory_space<vmem>>, vector<16xf32>,
    tpu.vector_store %arg9[%swap3A_258], %gather3A_257 {strides = array<i32>} : memref<160xf32, #tpu.memory_space<vmem>>, vector<16xf32>,
    %add3A_260 = arith.constant 2 : i32
    %add3A_261 = vector.broadcast %add3A_260 : i32 to vector<16xi32>
    %add3A_262 = arith.addi %mul3A_247, %add3A_261 : vector<16xi32>
    %gather3A_263 = tpu.vector_load_idx %arg7[%add3A_262] : memref<648xf32, #tpu.memory_space<vmem>>[vector<16xi32>], vector<16xf32>,
    %swap3A_264 = arith.constant 112 : index
    %swap3A_265 = tpu.vector_load %arg10[%swap3A_264] {strides = array<i32>} : memref<160xf32, #tpu.memory_space<vmem>>, vector<16xf32>,
    tpu.vector_store %arg10[%swap3A_264], %gather3A_263 {strides = array<i32>} : memref<160xf32, #tpu.memory_space<vmem>>, vector<16xf32>,
    %get3A_266 = arith.constant 128 : index
    %get3A_267 = tpu.vector_load %arg6[%get3A_266] {strides = array<i32>} : memref<160xi32, #tpu.memory_space<vmem>>, vector<16xi32>,
    %jit3A_268 = arith.constant 0 : i32
    %jit3A_269 = arith.constant 215 : i32
    %max3A_270 = vector.broadcast %jit3A_268 : i32 to vector<16xi32>
    %max3A_271 = arith.maxsi %max3A_270, %get3A_267 : vector<16xi32>
    %min3A_272 = vector.broadcast %jit3A_269 : i32 to vector<16xi32>
    %min3A_273 = arith.minsi %min3A_272, %max3A_271 : vector<16xi32>
    %mul3A_274 = arith.constant 3 : i32
    %mul3A_275 = vector.broadcast %mul3A_274 : i32 to vector<16xi32>
    %mul3A_276 = arith.muli %min3A_273, %mul3A_275 : vector<16xi32>
    %add3A_277 = arith.constant 0 : i32
    %add3A_278 = vector.broadcast %add3A_277 : i32 to vector<16xi32>
    %add3A_279 = arith.addi %mul3A_276, %add3A_278 : vector<16xi32>
    %gather3A_280 = tpu.vector_load_idx %arg7[%add3A_279] : memref<648xf32, #tpu.memory_space<vmem>>[vector<16xi32>], vector<16xf32>,
    %swap3A_281 = arith.constant 128 : index
    %swap3A_282 = tpu.vector_load %arg8[%swap3A_281] {strides = array<i32>} : memref<160xf32, #tpu.memory_space<vmem>>, vector<16xf32>,
    tpu.vector_store %arg8[%swap3A_281], %gather3A_280 {strides = array<i32>} : memref<160xf32, #tpu.memory_space<vmem>>, vector<16xf32>,
    %add3A_283 = arith.constant 1 : i32
    %add3A_284 = vector.broadcast %add3A_283 : i32 to vector<16xi32>
    %add3A_285 = arith.addi %mul3A_276, %add3A_284 : vector<16xi32>
    %gather3A_286 = tpu.vector_load_idx %arg7[%add3A_285] : memref<648xf32, #tpu.memory_space<vmem>>[vector<16xi32>], vector<16xf32>,
    %swap3A_287 = arith.constant 128 : index
    %swap3A_288 = tpu.vector_load %arg9[%swap3A_287] {strides = array<i32>} : memref<160xf32, #tpu.memory_space<vmem>>, vector<16xf32>,
    tpu.vector_store %arg9[%swap3A_287], %gather3A_286 {strides = array<i32>} : memref<160xf32, #tpu.memory_space<vmem>>, vector<16xf32>,
    %add3A_289 = arith.constant 2 : i32
    %add3A_290 = vector.broadcast %add3A_289 : i32 to vector<16xi32>
    %add3A_291 = arith.addi %mul3A_276, %add3A_290 : vector<16xi32>
    %gather3A_292 = tpu.vector_load_idx %arg7[%add3A_291] : memref<648xf32, #tpu.memory_space<vmem>>[vector<16xi32>], vector<16xf32>,
    %swap3A_293 = arith.constant 128 : index
    %swap3A_294 = tpu.vector_load %arg10[%swap3A_293] {strides = array<i32>} : memref<160xf32, #tpu.memory_space<vmem>>, vector<16xf32>,
    tpu.vector_store %arg10[%swap3A_293], %gather3A_292 {strides = array<i32>} : memref<160xf32, #tpu.memory_space<vmem>>, vector<16xf32>,
    %get3A_295 = arith.constant 144 : index
    %get3A_296 = tpu.vector_load %arg6[%get3A_295] {strides = array<i32>} : memref<160xi32, #tpu.memory_space<vmem>>, vector<16xi32>,
    %jit3A_297 = arith.constant 0 : i32
    %jit3A_298 = arith.constant 215 : i32
    %max3A_299 = vector.broadcast %jit3A_297 : i32 to vector<16xi32>
    %max3A_300 = arith.maxsi %max3A_299, %get3A_296 : vector<16xi32>
    %min3A_301 = vector.broadcast %jit3A_298 : i32 to vector<16xi32>
    %min3A_302 = arith.minsi %min3A_301, %max3A_300 : vector<16xi32>
    %mul3A_303 = arith.constant 3 : i32
    %mul3A_304 = vector.broadcast %mul3A_303 : i32 to vector<16xi32>
    %mul3A_305 = arith.muli %min3A_302, %mul3A_304 : vector<16xi32>
    %add3A_306 = arith.constant 0 : i32
    %add3A_307 = vector.broadcast %add3A_306 : i32 to vector<16xi32>
    %add3A_308 = arith.addi %mul3A_305, %add3A_307 : vector<16xi32>
    %gather3A_309 = tpu.vector_load_idx %arg7[%add3A_308] : memref<648xf32, #tpu.memory_space<vmem>>[vector<16xi32>], vector<16xf32>,
    %swap3A_310 = arith.constant 144 : index
    %swap3A_311 = tpu.vector_load %arg8[%swap3A_310] {strides = array<i32>} : memref<160xf32, #tpu.memory_space<vmem>>, vector<16xf32>,
    tpu.vector_store %arg8[%swap3A_310], %gather3A_309 {strides = array<i32>} : memref<160xf32, #tpu.memory_space<vmem>>, vector<16xf32>,
    %add3A_312 = arith.constant 1 : i32
    %add3A_313 = vector.broadcast %add3A_312 : i32 to vector<16xi32>
    %add3A_314 = arith.addi %mul3A_305, %add3A_313 : vector<16xi32>
    %gather3A_315 = tpu.vector_load_idx %arg7[%add3A_314] : memref<648xf32, #tpu.memory_space<vmem>>[vector<16xi32>], vector<16xf32>,
    %swap3A_316 = arith.constant 144 : index
    %swap3A_317 = tpu.vector_load %arg9[%swap3A_316] {strides = array<i32>} : memref<160xf32, #tpu.memory_space<vmem>>, vector<16xf32>,
    tpu.vector_store %arg9[%swap3A_316], %gather3A_315 {strides = array<i32>} : memref<160xf32, #tpu.memory_space<vmem>>, vector<16xf32>,
    %add3A_318 = arith.constant 2 : i32
    %add3A_319 = vector.broadcast %add3A_318 : i32 to vector<16xi32>
    %add3A_320 = arith.addi %mul3A_305, %add3A_319 : vector<16xi32>
    %gather3A_321 = tpu.vector_load_idx %arg7[%add3A_320] : memref<648xf32, #tpu.memory_space<vmem>>[vector<16xi32>], vector<16xf32>,
    %swap3A_322 = arith.constant 144 : index
    %swap3A_323 = tpu.vector_load %arg10[%swap3A_322] {strides = array<i32>} : memref<160xf32, #tpu.memory_space<vmem>>, vector<16xf32>,
    tpu.vector_store %arg10[%swap3A_322], %gather3A_321 {strides = array<i32>} : memref<160xf32, #tpu.memory_space<vmem>>, vector<16xf32>,
    %add3A_324 = arith.constant 8192 : i32
    %add3A_325 = arith.addi %mul3A_32, %add3A_324 : i32
    %mul3A_326 = arith.constant 262144 : i32
    %mul3A_327 = arith.muli %select_n3A, %mul3A_326 : i32
    %add3A_328 = arith.addi %mul3A_327, %add3A_325 : i32
    %dma_start3A_329 = tpu.memref_slice %arg2[%add3A_328] : memref<2097152xi32, #tpu.memory_space<hbm>> -> memref<8192xi32, #tpu.memory_space<hbm>>
    %dma_start3A_330 = tpu.memref_slice %arg2[%add3A_328] : memref<2097152xi32, #tpu.memory_space<hbm>> -> memref<8192xi32, #tpu.memory_space<hbm>>
    tpu.enqueue_dma source(%dma_start3A_330 : memref<8192xi32, #tpu.memory_space<hbm>>) target(%arg12 : memref<8192xi32, #tpu.memory_space<vmem>>) target_semaphore(%arg20 : memref<!tpu.dma_semaphore, #tpu.memory_space<semaphore_mem>>)
    %dma_wait3A = tpu.memref_slice %arg2[%add3A_37] : memref<2097152xi32, #tpu.memory_space<hbm>> -> memref<8192xi32, #tpu.memory_space<hbm>>
    %dma_wait3A_331 = tpu.memref_slice %arg2[%add3A_37] : memref<2097152xi32, #tpu.memory_space<hbm>> -> memref<8192xi32, #tpu.memory_space<hbm>>
    tpu.wait_dma2 semaphore(%arg19 : memref<!tpu.dma_semaphore, #tpu.memory_space<semaphore_mem>>) src(%dma_wait3A_331 : memref<8192xi32, #tpu.memory_space<hbm>>) dst(%arg11 : memref<8192xi32, #tpu.memory_space<vmem>>)
    %parallel_loop3A = arith.constant 0 : i32
    %parallel_loop3A_332 = arith.constant 512 : i32
    %parallel_loop3A_333 = arith.constant 1 : i32
    scf.for %parallel_loop3A_691 = %parallel_loop3A to %parallel_loop3A_332 step %parallel_loop3A_333  : i32 {
      %parallel_loop3A_692 = arith.constant 16 : i32
      %parallel_loop3A_693 = arith.muli %parallel_loop3A_691, %parallel_loop3A_692 : i32
      %parallel_loop3A_694 = arith.index_cast %parallel_loop3A_693 : i32 to index
      %parallel_loop3A_695 = tpu.vector_load %arg11[%parallel_loop3A_694] {strides = array<i32>} : memref<8192xi32, #tpu.memory_space<vmem>>, vector<16xi32>,
      %parallel_loop3A_696 = tpu.vector_load_idx %arg8[%parallel_loop3A_695] : memref<160xf32, #tpu.memory_space<vmem>>[vector<16xi32>], vector<16xf32>,
      %parallel_loop3A_697 = arith.index_cast %parallel_loop3A_693 : i32 to index
      %parallel_loop3A_698 = tpu.vector_load %arg13[%parallel_loop3A_697] {strides = array<i32>} : memref<8192xf32, #tpu.memory_space<vmem>>, vector<16xf32>,
      tpu.vector_store %arg13[%parallel_loop3A_697], %parallel_loop3A_696 {strides = array<i32>} : memref<8192xf32, #tpu.memory_space<vmem>>, vector<16xf32>,
      %parallel_loop3A_699 = tpu.vector_load_idx %arg9[%parallel_loop3A_695] : memref<160xf32, #tpu.memory_space<vmem>>[vector<16xi32>], vector<16xf32>,
      %parallel_loop3A_700 = arith.index_cast %parallel_loop3A_693 : i32 to index
      %parallel_loop3A_701 = tpu.vector_load %arg14[%parallel_loop3A_700] {strides = array<i32>} : memref<8192xf32, #tpu.memory_space<vmem>>, vector<16xf32>,
      tpu.vector_store %arg14[%parallel_loop3A_700], %parallel_loop3A_699 {strides = array<i32>} : memref<8192xf32, #tpu.memory_space<vmem>>, vector<16xf32>,
      %parallel_loop3A_702 = tpu.vector_load_idx %arg10[%parallel_loop3A_695] : memref<160xf32, #tpu.memory_space<vmem>>[vector<16xi32>], vector<16xf32>,
      %parallel_loop3A_703 = arith.index_cast %parallel_loop3A_693 : i32 to index
      %parallel_loop3A_704 = tpu.vector_load %arg15[%parallel_loop3A_703] {strides = array<i32>} : memref<8192xf32, #tpu.memory_space<vmem>>, vector<16xf32>,
      tpu.vector_store %arg15[%parallel_loop3A_703], %parallel_loop3A_702 {strides = array<i32>} : memref<8192xf32, #tpu.memory_space<vmem>>, vector<16xf32>,
    } {sc.loop_unroll_factor = 4 : i64, sc.parallel_access}
    %add3A_334 = arith.constant 0 : i32
    %add3A_335 = arith.addi %mul3A_32, %add3A_334 : i32
    %mul3A_336 = arith.constant 3 : i32
    %mul3A_337 = arith.muli %select_n3A, %mul3A_336 : i32
    %add3A_338 = arith.constant 0 : i32
    %add3A_339 = arith.addi %mul3A_337, %add3A_338 : i32
    %mul3A_340 = arith.constant 262144 : i32
    %mul3A_341 = arith.muli %add3A_339, %mul3A_340 : i32
    %add3A_342 = arith.addi %mul3A_341, %add3A_335 : i32
    %dma_start3A_343 = tpu.memref_slice %arg5[%add3A_342] : memref<6291456xf32, #tpu.memory_space<hbm>> -> memref<8192xf32, #tpu.memory_space<hbm>>
    %dma_start3A_344 = tpu.memref_slice %arg5[%add3A_342] : memref<6291456xf32, #tpu.memory_space<hbm>> -> memref<8192xf32, #tpu.memory_space<hbm>>
    tpu.enqueue_dma source(%arg13 : memref<8192xf32, #tpu.memory_space<vmem>>) target(%dma_start3A_344 : memref<8192xf32, #tpu.memory_space<hbm>>) target_semaphore(%arg21 : memref<!tpu.dma_semaphore, #tpu.memory_space<semaphore_mem>>)
    %mul3A_345 = arith.constant 3 : i32
    %mul3A_346 = arith.muli %select_n3A, %mul3A_345 : i32
    %add3A_347 = arith.constant 1 : i32
    %add3A_348 = arith.addi %mul3A_346, %add3A_347 : i32
    %mul3A_349 = arith.constant 262144 : i32
    %mul3A_350 = arith.muli %add3A_348, %mul3A_349 : i32
    %add3A_351 = arith.addi %mul3A_350, %add3A_335 : i32
    %dma_start3A_352 = tpu.memref_slice %arg5[%add3A_351] : memref<6291456xf32, #tpu.memory_space<hbm>> -> memref<8192xf32, #tpu.memory_space<hbm>>
    %dma_start3A_353 = tpu.memref_slice %arg5[%add3A_351] : memref<6291456xf32, #tpu.memory_space<hbm>> -> memref<8192xf32, #tpu.memory_space<hbm>>
    tpu.enqueue_dma source(%arg14 : memref<8192xf32, #tpu.memory_space<vmem>>) target(%dma_start3A_353 : memref<8192xf32, #tpu.memory_space<hbm>>) target_semaphore(%arg21 : memref<!tpu.dma_semaphore, #tpu.memory_space<semaphore_mem>>)
    %mul3A_354 = arith.constant 3 : i32
    %mul3A_355 = arith.muli %select_n3A, %mul3A_354 : i32
    %add3A_356 = arith.constant 2 : i32
    %add3A_357 = arith.addi %mul3A_355, %add3A_356 : i32
    %mul3A_358 = arith.constant 262144 : i32
    %mul3A_359 = arith.muli %add3A_357, %mul3A_358 : i32
    %add3A_360 = arith.addi %mul3A_359, %add3A_335 : i32
    %dma_start3A_361 = tpu.memref_slice %arg5[%add3A_360] : memref<6291456xf32, #tpu.memory_space<hbm>> -> memref<8192xf32, #tpu.memory_space<hbm>>
    %dma_start3A_362 = tpu.memref_slice %arg5[%add3A_360] : memref<6291456xf32, #tpu.memory_space<hbm>> -> memref<8192xf32, #tpu.memory_space<hbm>>
    tpu.enqueue_dma source(%arg15 : memref<8192xf32, #tpu.memory_space<vmem>>) target(%dma_start3A_362 : memref<8192xf32, #tpu.memory_space<hbm>>) target_semaphore(%arg21 : memref<!tpu.dma_semaphore, #tpu.memory_space<semaphore_mem>>)
    %add3A_363 = arith.constant 16384 : i32
    %add3A_364 = arith.addi %mul3A_32, %add3A_363 : i32
    %mul3A_365 = arith.constant 262144 : i32
    %mul3A_366 = arith.muli %select_n3A, %mul3A_365 : i32
    %add3A_367 = arith.addi %mul3A_366, %add3A_364 : i32
    %dma_start3A_368 = tpu.memref_slice %arg2[%add3A_367] : memref<2097152xi32, #tpu.memory_space<hbm>> -> memref<8192xi32, #tpu.memory_space<hbm>>
    %dma_start3A_369 = tpu.memref_slice %arg2[%add3A_367] : memref<2097152xi32, #tpu.memory_space<hbm>> -> memref<8192xi32, #tpu.memory_space<hbm>>
    tpu.enqueue_dma source(%dma_start3A_369 : memref<8192xi32, #tpu.memory_space<hbm>>) target(%arg11 : memref<8192xi32, #tpu.memory_space<vmem>>) target_semaphore(%arg19 : memref<!tpu.dma_semaphore, #tpu.memory_space<semaphore_mem>>)
    %dma_wait3A_370 = tpu.memref_slice %arg2[%add3A_328] : memref<2097152xi32, #tpu.memory_space<hbm>> -> memref<8192xi32, #tpu.memory_space<hbm>>
    %dma_wait3A_371 = tpu.memref_slice %arg2[%add3A_328] : memref<2097152xi32, #tpu.memory_space<hbm>> -> memref<8192xi32, #tpu.memory_space<hbm>>
    tpu.wait_dma2 semaphore(%arg20 : memref<!tpu.dma_semaphore, #tpu.memory_space<semaphore_mem>>) src(%dma_wait3A_371 : memref<8192xi32, #tpu.memory_space<hbm>>) dst(%arg12 : memref<8192xi32, #tpu.memory_space<vmem>>)
    %parallel_loop3A_372 = arith.constant 0 : i32
    %parallel_loop3A_373 = arith.constant 512 : i32
    %parallel_loop3A_374 = arith.constant 1 : i32
    scf.for %parallel_loop3A_691 = %parallel_loop3A_372 to %parallel_loop3A_373 step %parallel_loop3A_374  : i32 {
      %parallel_loop3A_692 = arith.constant 16 : i32
      %parallel_loop3A_693 = arith.muli %parallel_loop3A_691, %parallel_loop3A_692 : i32
      %parallel_loop3A_694 = arith.index_cast %parallel_loop3A_693 : i32 to index
      %parallel_loop3A_695 = tpu.vector_load %arg12[%parallel_loop3A_694] {strides = array<i32>} : memref<8192xi32, #tpu.memory_space<vmem>>, vector<16xi32>,
      %parallel_loop3A_696 = tpu.vector_load_idx %arg8[%parallel_loop3A_695] : memref<160xf32, #tpu.memory_space<vmem>>[vector<16xi32>], vector<16xf32>,
      %parallel_loop3A_697 = arith.index_cast %parallel_loop3A_693 : i32 to index
      %parallel_loop3A_698 = tpu.vector_load %arg16[%parallel_loop3A_697] {strides = array<i32>} : memref<8192xf32, #tpu.memory_space<vmem>>, vector<16xf32>,
      tpu.vector_store %arg16[%parallel_loop3A_697], %parallel_loop3A_696 {strides = array<i32>} : memref<8192xf32, #tpu.memory_space<vmem>>, vector<16xf32>,
      %parallel_loop3A_699 = tpu.vector_load_idx %arg9[%parallel_loop3A_695] : memref<160xf32, #tpu.memory_space<vmem>>[vector<16xi32>], vector<16xf32>,
      %parallel_loop3A_700 = arith.index_cast %parallel_loop3A_693 : i32 to index
      %parallel_loop3A_701 = tpu.vector_load %arg17[%parallel_loop3A_700] {strides = array<i32>} : memref<8192xf32, #tpu.memory_space<vmem>>, vector<16xf32>,
      tpu.vector_store %arg17[%parallel_loop3A_700], %parallel_loop3A_699 {strides = array<i32>} : memref<8192xf32, #tpu.memory_space<vmem>>, vector<16xf32>,
      %parallel_loop3A_702 = tpu.vector_load_idx %arg10[%parallel_loop3A_695] : memref<160xf32, #tpu.memory_space<vmem>>[vector<16xi32>], vector<16xf32>,
      %parallel_loop3A_703 = arith.index_cast %parallel_loop3A_693 : i32 to index
      %parallel_loop3A_704 = tpu.vector_load %arg18[%parallel_loop3A_703] {strides = array<i32>} : memref<8192xf32, #tpu.memory_space<vmem>>, vector<16xf32>,
      tpu.vector_store %arg18[%parallel_loop3A_703], %parallel_loop3A_702 {strides = array<i32>} : memref<8192xf32, #tpu.memory_space<vmem>>, vector<16xf32>,
    } {sc.loop_unroll_factor = 4 : i64, sc.parallel_access}
    %add3A_375 = arith.constant 8192 : i32
    %add3A_376 = arith.addi %mul3A_32, %add3A_375 : i32
    %mul3A_377 = arith.constant 3 : i32
    %mul3A_378 = arith.muli %select_n3A, %mul3A_377 : i32
    %add3A_379 = arith.constant 0 : i32
    %add3A_380 = arith.addi %mul3A_378, %add3A_379 : i32
    %mul3A_381 = arith.constant 262144 : i32
    %mul3A_382 = arith.muli %add3A_380, %mul3A_381 : i32
    %add3A_383 = arith.addi %mul3A_382, %add3A_376 : i32
    %dma_start3A_384 = tpu.memref_slice %arg5[%add3A_383] : memref<6291456xf32, #tpu.memory_space<hbm>> -> memref<8192xf32, #tpu.memory_space<hbm>>
    %dma_start3A_385 = tpu.memref_slice %arg5[%add3A_383] : memref<6291456xf32, #tpu.memory_space<hbm>> -> memref<8192xf32, #tpu.memory_space<hbm>>
    tpu.enqueue_dma source(%arg16 : memref<8192xf32, #tpu.memory_space<vmem>>) target(%dma_start3A_385 : memref<8192xf32, #tpu.memory_space<hbm>>) target_semaphore(%arg22 : memref<!tpu.dma_semaphore, #tpu.memory_space<semaphore_mem>>)
    %mul3A_386 = arith.constant 3 : i32
    %mul3A_387 = arith.muli %select_n3A, %mul3A_386 : i32
    %add3A_388 = arith.constant 1 : i32
    %add3A_389 = arith.addi %mul3A_387, %add3A_388 : i32
    %mul3A_390 = arith.constant 262144 : i32
    %mul3A_391 = arith.muli %add3A_389, %mul3A_390 : i32
    %add3A_392 = arith.addi %mul3A_391, %add3A_376 : i32
    %dma_start3A_393 = tpu.memref_slice %arg5[%add3A_392] : memref<6291456xf32, #tpu.memory_space<hbm>> -> memref<8192xf32, #tpu.memory_space<hbm>>
    %dma_start3A_394 = tpu.memref_slice %arg5[%add3A_392] : memref<6291456xf32, #tpu.memory_space<hbm>> -> memref<8192xf32, #tpu.memory_space<hbm>>
    tpu.enqueue_dma source(%arg17 : memref<8192xf32, #tpu.memory_space<vmem>>) target(%dma_start3A_394 : memref<8192xf32, #tpu.memory_space<hbm>>) target_semaphore(%arg22 : memref<!tpu.dma_semaphore, #tpu.memory_space<semaphore_mem>>)
    %mul3A_395 = arith.constant 3 : i32
    %mul3A_396 = arith.muli %select_n3A, %mul3A_395 : i32
    %add3A_397 = arith.constant 2 : i32
    %add3A_398 = arith.addi %mul3A_396, %add3A_397 : i32
    %mul3A_399 = arith.constant 262144 : i32
    %mul3A_400 = arith.muli %add3A_398, %mul3A_399 : i32
    %add3A_401 = arith.addi %mul3A_400, %add3A_376 : i32
    %dma_start3A_402 = tpu.memref_slice %arg5[%add3A_401] : memref<6291456xf32, #tpu.memory_space<hbm>> -> memref<8192xf32, #tpu.memory_space<hbm>>
    %dma_start3A_403 = tpu.memref_slice %arg5[%add3A_401] : memref<6291456xf32, #tpu.memory_space<hbm>> -> memref<8192xf32, #tpu.memory_space<hbm>>
    tpu.enqueue_dma source(%arg18 : memref<8192xf32, #tpu.memory_space<vmem>>) target(%dma_start3A_403 : memref<8192xf32, #tpu.memory_space<hbm>>) target_semaphore(%arg22 : memref<!tpu.dma_semaphore, #tpu.memory_space<semaphore_mem>>)
    %add3A_404 = arith.constant 24576 : i32
    %add3A_405 = arith.addi %mul3A_32, %add3A_404 : i32
    %mul3A_406 = arith.constant 262144 : i32
    %mul3A_407 = arith.muli %select_n3A, %mul3A_406 : i32
    %add3A_408 = arith.addi %mul3A_407, %add3A_405 : i32
    %dma_start3A_409 = tpu.memref_slice %arg2[%add3A_408] : memref<2097152xi32, #tpu.memory_space<hbm>> -> memref<8192xi32, #tpu.memory_space<hbm>>
    %dma_start3A_410 = tpu.memref_slice %arg2[%add3A_408] : memref<2097152xi32, #tpu.memory_space<hbm>> -> memref<8192xi32, #tpu.memory_space<hbm>>
    tpu.enqueue_dma source(%dma_start3A_410 : memref<8192xi32, #tpu.memory_space<hbm>>) target(%arg12 : memref<8192xi32, #tpu.memory_space<vmem>>) target_semaphore(%arg20 : memref<!tpu.dma_semaphore, #tpu.memory_space<semaphore_mem>>)
    %dma_wait3A_411 = tpu.memref_slice %arg2[%add3A_367] : memref<2097152xi32, #tpu.memory_space<hbm>> -> memref<8192xi32, #tpu.memory_space<hbm>>
    %dma_wait3A_412 = tpu.memref_slice %arg2[%add3A_367] : memref<2097152xi32, #tpu.memory_space<hbm>> -> memref<8192xi32, #tpu.memory_space<hbm>>
    tpu.wait_dma2 semaphore(%arg19 : memref<!tpu.dma_semaphore, #tpu.memory_space<semaphore_mem>>) src(%dma_wait3A_412 : memref<8192xi32, #tpu.memory_space<hbm>>) dst(%arg11 : memref<8192xi32, #tpu.memory_space<vmem>>)
    %dma_wait3A_413 = tpu.memref_slice %arg5[%add3A_342] : memref<6291456xf32, #tpu.memory_space<hbm>> -> memref<8192xf32, #tpu.memory_space<hbm>>
    %dma_wait3A_414 = tpu.memref_slice %arg5[%add3A_342] : memref<6291456xf32, #tpu.memory_space<hbm>> -> memref<8192xf32, #tpu.memory_space<hbm>>
    tpu.wait_dma2 semaphore(%arg21 : memref<!tpu.dma_semaphore, #tpu.memory_space<semaphore_mem>>) src(%arg13 : memref<8192xf32, #tpu.memory_space<vmem>>) dst(%dma_wait3A_414 : memref<8192xf32, #tpu.memory_space<hbm>>)
    %dma_wait3A_415 = tpu.memref_slice %arg5[%add3A_351] : memref<6291456xf32, #tpu.memory_space<hbm>> -> memref<8192xf32, #tpu.memory_space<hbm>>
    %dma_wait3A_416 = tpu.memref_slice %arg5[%add3A_351] : memref<6291456xf32, #tpu.memory_space<hbm>> -> memref<8192xf32, #tpu.memory_space<hbm>>
    tpu.wait_dma2 semaphore(%arg21 : memref<!tpu.dma_semaphore, #tpu.memory_space<semaphore_mem>>) src(%arg14 : memref<8192xf32, #tpu.memory_space<vmem>>) dst(%dma_wait3A_416 : memref<8192xf32, #tpu.memory_space<hbm>>)
    %dma_wait3A_417 = tpu.memref_slice %arg5[%add3A_360] : memref<6291456xf32, #tpu.memory_space<hbm>> -> memref<8192xf32, #tpu.memory_space<hbm>>
    %dma_wait3A_418 = tpu.memref_slice %arg5[%add3A_360] : memref<6291456xf32, #tpu.memory_space<hbm>> -> memref<8192xf32, #tpu.memory_space<hbm>>
    tpu.wait_dma2 semaphore(%arg21 : memref<!tpu.dma_semaphore, #tpu.memory_space<semaphore_mem>>) src(%arg15 : memref<8192xf32, #tpu.memory_space<vmem>>) dst(%dma_wait3A_418 : memref<8192xf32, #tpu.memory_space<hbm>>)
    %parallel_loop3A_419 = arith.constant 0 : i32
    %parallel_loop3A_420 = arith.constant 512 : i32
    %parallel_loop3A_421 = arith.constant 1 : i32
    scf.for %parallel_loop3A_691 = %parallel_loop3A_419 to %parallel_loop3A_420 step %parallel_loop3A_421  : i32 {
      %parallel_loop3A_692 = arith.constant 16 : i32
      %parallel_loop3A_693 = arith.muli %parallel_loop3A_691, %parallel_loop3A_692 : i32
      %parallel_loop3A_694 = arith.index_cast %parallel_loop3A_693 : i32 to index
      %parallel_loop3A_695 = tpu.vector_load %arg11[%parallel_loop3A_694] {strides = array<i32>} : memref<8192xi32, #tpu.memory_space<vmem>>, vector<16xi32>,
      %parallel_loop3A_696 = tpu.vector_load_idx %arg8[%parallel_loop3A_695] : memref<160xf32, #tpu.memory_space<vmem>>[vector<16xi32>], vector<16xf32>,
      %parallel_loop3A_697 = arith.index_cast %parallel_loop3A_693 : i32 to index
      %parallel_loop3A_698 = tpu.vector_load %arg13[%parallel_loop3A_697] {strides = array<i32>} : memref<8192xf32, #tpu.memory_space<vmem>>, vector<16xf32>,
      tpu.vector_store %arg13[%parallel_loop3A_697], %parallel_loop3A_696 {strides = array<i32>} : memref<8192xf32, #tpu.memory_space<vmem>>, vector<16xf32>,
      %parallel_loop3A_699 = tpu.vector_load_idx %arg9[%parallel_loop3A_695] : memref<160xf32, #tpu.memory_space<vmem>>[vector<16xi32>], vector<16xf32>,
      %parallel_loop3A_700 = arith.index_cast %parallel_loop3A_693 : i32 to index
      %parallel_loop3A_701 = tpu.vector_load %arg14[%parallel_loop3A_700] {strides = array<i32>} : memref<8192xf32, #tpu.memory_space<vmem>>, vector<16xf32>,
      tpu.vector_store %arg14[%parallel_loop3A_700], %parallel_loop3A_699 {strides = array<i32>} : memref<8192xf32, #tpu.memory_space<vmem>>, vector<16xf32>,
      %parallel_loop3A_702 = tpu.vector_load_idx %arg10[%parallel_loop3A_695] : memref<160xf32, #tpu.memory_space<vmem>>[vector<16xi32>], vector<16xf32>,
      %parallel_loop3A_703 = arith.index_cast %parallel_loop3A_693 : i32 to index
      %parallel_loop3A_704 = tpu.vector_load %arg15[%parallel_loop3A_703] {strides = array<i32>} : memref<8192xf32, #tpu.memory_space<vmem>>, vector<16xf32>,
      tpu.vector_store %arg15[%parallel_loop3A_703], %parallel_loop3A_702 {strides = array<i32>} : memref<8192xf32, #tpu.memory_space<vmem>>, vector<16xf32>,
    } {sc.loop_unroll_factor = 4 : i64, sc.parallel_access}
    %add3A_422 = arith.constant 16384 : i32
    %add3A_423 = arith.addi %mul3A_32, %add3A_422 : i32
    %mul3A_424 = arith.constant 3 : i32
    %mul3A_425 = arith.muli %select_n3A, %mul3A_424 : i32
    %add3A_426 = arith.constant 0 : i32
    %add3A_427 = arith.addi %mul3A_425, %add3A_426 : i32
    %mul3A_428 = arith.constant 262144 : i32
    %mul3A_429 = arith.muli %add3A_427, %mul3A_428 : i32
    %add3A_430 = arith.addi %mul3A_429, %add3A_423 : i32
    %dma_start3A_431 = tpu.memref_slice %arg5[%add3A_430] : memref<6291456xf32, #tpu.memory_space<hbm>> -> memref<8192xf32, #tpu.memory_space<hbm>>
    %dma_start3A_432 = tpu.memref_slice %arg5[%add3A_430] : memref<6291456xf32, #tpu.memory_space<hbm>> -> memref<8192xf32, #tpu.memory_space<hbm>>
    tpu.enqueue_dma source(%arg13 : memref<8192xf32, #tpu.memory_space<vmem>>) target(%dma_start3A_432 : memref<8192xf32, #tpu.memory_space<hbm>>) target_semaphore(%arg21 : memref<!tpu.dma_semaphore, #tpu.memory_space<semaphore_mem>>)
    %mul3A_433 = arith.constant 3 : i32
    %mul3A_434 = arith.muli %select_n3A, %mul3A_433 : i32
    %add3A_435 = arith.constant 1 : i32
    %add3A_436 = arith.addi %mul3A_434, %add3A_435 : i32
    %mul3A_437 = arith.constant 262144 : i32
    %mul3A_438 = arith.muli %add3A_436, %mul3A_437 : i32
    %add3A_439 = arith.addi %mul3A_438, %add3A_423 : i32
    %dma_start3A_440 = tpu.memref_slice %arg5[%add3A_439] : memref<6291456xf32, #tpu.memory_space<hbm>> -> memref<8192xf32, #tpu.memory_space<hbm>>
    %dma_start3A_441 = tpu.memref_slice %arg5[%add3A_439] : memref<6291456xf32, #tpu.memory_space<hbm>> -> memref<8192xf32, #tpu.memory_space<hbm>>
    tpu.enqueue_dma source(%arg14 : memref<8192xf32, #tpu.memory_space<vmem>>) target(%dma_start3A_441 : memref<8192xf32, #tpu.memory_space<hbm>>) target_semaphore(%arg21 : memref<!tpu.dma_semaphore, #tpu.memory_space<semaphore_mem>>)
    %mul3A_442 = arith.constant 3 : i32
    %mul3A_443 = arith.muli %select_n3A, %mul3A_442 : i32
    %add3A_444 = arith.constant 2 : i32
    %add3A_445 = arith.addi %mul3A_443, %add3A_444 : i32
    %mul3A_446 = arith.constant 262144 : i32
    %mul3A_447 = arith.muli %add3A_445, %mul3A_446 : i32
    %add3A_448 = arith.addi %mul3A_447, %add3A_423 : i32
    %dma_start3A_449 = tpu.memref_slice %arg5[%add3A_448] : memref<6291456xf32, #tpu.memory_space<hbm>> -> memref<8192xf32, #tpu.memory_space<hbm>>
    %dma_start3A_450 = tpu.memref_slice %arg5[%add3A_448] : memref<6291456xf32, #tpu.memory_space<hbm>> -> memref<8192xf32, #tpu.memory_space<hbm>>
    tpu.enqueue_dma source(%arg15 : memref<8192xf32, #tpu.memory_space<vmem>>) target(%dma_start3A_450 : memref<8192xf32, #tpu.memory_space<hbm>>) target_semaphore(%arg21 : memref<!tpu.dma_semaphore, #tpu.memory_space<semaphore_mem>>)
    %add3A_451 = arith.constant 32768 : i32
    %add3A_452 = arith.addi %mul3A_32, %add3A_451 : i32
    %mul3A_453 = arith.constant 262144 : i32
    %mul3A_454 = arith.muli %select_n3A, %mul3A_453 : i32
    %add3A_455 = arith.addi %mul3A_454, %add3A_452 : i32
    %dma_start3A_456 = tpu.memref_slice %arg2[%add3A_455] : memref<2097152xi32, #tpu.memory_space<hbm>> -> memref<8192xi32, #tpu.memory_space<hbm>>
    %dma_start3A_457 = tpu.memref_slice %arg2[%add3A_455] : memref<2097152xi32, #tpu.memory_space<hbm>> -> memref<8192xi32, #tpu.memory_space<hbm>>
    tpu.enqueue_dma source(%dma_start3A_457 : memref<8192xi32, #tpu.memory_space<hbm>>) target(%arg11 : memref<8192xi32, #tpu.memory_space<vmem>>) target_semaphore(%arg19 : memref<!tpu.dma_semaphore, #tpu.memory_space<semaphore_mem>>)
    %dma_wait3A_458 = tpu.memref_slice %arg2[%add3A_408] : memref<2097152xi32, #tpu.memory_space<hbm>> -> memref<8192xi32, #tpu.memory_space<hbm>>
    %dma_wait3A_459 = tpu.memref_slice %arg2[%add3A_408] : memref<2097152xi32, #tpu.memory_space<hbm>> -> memref<8192xi32, #tpu.memory_space<hbm>>
    tpu.wait_dma2 semaphore(%arg20 : memref<!tpu.dma_semaphore, #tpu.memory_space<semaphore_mem>>) src(%dma_wait3A_459 : memref<8192xi32, #tpu.memory_space<hbm>>) dst(%arg12 : memref<8192xi32, #tpu.memory_space<vmem>>)
    %dma_wait3A_460 = tpu.memref_slice %arg5[%add3A_383] : memref<6291456xf32, #tpu.memory_space<hbm>> -> memref<8192xf32, #tpu.memory_space<hbm>>
    %dma_wait3A_461 = tpu.memref_slice %arg5[%add3A_383] : memref<6291456xf32, #tpu.memory_space<hbm>> -> memref<8192xf32, #tpu.memory_space<hbm>>
    tpu.wait_dma2 semaphore(%arg22 : memref<!tpu.dma_semaphore, #tpu.memory_space<semaphore_mem>>) src(%arg16 : memref<8192xf32, #tpu.memory_space<vmem>>) dst(%dma_wait3A_461 : memref<8192xf32, #tpu.memory_space<hbm>>)
    %dma_wait3A_462 = tpu.memref_slice %arg5[%add3A_392] : memref<6291456xf32, #tpu.memory_space<hbm>> -> memref<8192xf32, #tpu.memory_space<hbm>>
    %dma_wait3A_463 = tpu.memref_slice %arg5[%add3A_392] : memref<6291456xf32, #tpu.memory_space<hbm>> -> memref<8192xf32, #tpu.memory_space<hbm>>
    tpu.wait_dma2 semaphore(%arg22 : memref<!tpu.dma_semaphore, #tpu.memory_space<semaphore_mem>>) src(%arg17 : memref<8192xf32, #tpu.memory_space<vmem>>) dst(%dma_wait3A_463 : memref<8192xf32, #tpu.memory_space<hbm>>)
    %dma_wait3A_464 = tpu.memref_slice %arg5[%add3A_401] : memref<6291456xf32, #tpu.memory_space<hbm>> -> memref<8192xf32, #tpu.memory_space<hbm>>
    %dma_wait3A_465 = tpu.memref_slice %arg5[%add3A_401] : memref<6291456xf32, #tpu.memory_space<hbm>> -> memref<8192xf32, #tpu.memory_space<hbm>>
    tpu.wait_dma2 semaphore(%arg22 : memref<!tpu.dma_semaphore, #tpu.memory_space<semaphore_mem>>) src(%arg18 : memref<8192xf32, #tpu.memory_space<vmem>>) dst(%dma_wait3A_465 : memref<8192xf32, #tpu.memory_space<hbm>>)
    %parallel_loop3A_466 = arith.constant 0 : i32
    %parallel_loop3A_467 = arith.constant 512 : i32
    %parallel_loop3A_468 = arith.constant 1 : i32
    scf.for %parallel_loop3A_691 = %parallel_loop3A_466 to %parallel_loop3A_467 step %parallel_loop3A_468  : i32 {
      %parallel_loop3A_692 = arith.constant 16 : i32
      %parallel_loop3A_693 = arith.muli %parallel_loop3A_691, %parallel_loop3A_692 : i32
      %parallel_loop3A_694 = arith.index_cast %parallel_loop3A_693 : i32 to index
      %parallel_loop3A_695 = tpu.vector_load %arg12[%parallel_loop3A_694] {strides = array<i32>} : memref<8192xi32, #tpu.memory_space<vmem>>, vector<16xi32>,
      %parallel_loop3A_696 = tpu.vector_load_idx %arg8[%parallel_loop3A_695] : memref<160xf32, #tpu.memory_space<vmem>>[vector<16xi32>], vector<16xf32>,
      %parallel_loop3A_697 = arith.index_cast %parallel_loop3A_693 : i32 to index
      %parallel_loop3A_698 = tpu.vector_load %arg16[%parallel_loop3A_697] {strides = array<i32>} : memref<8192xf32, #tpu.memory_space<vmem>>, vector<16xf32>,
      tpu.vector_store %arg16[%parallel_loop3A_697], %parallel_loop3A_696 {strides = array<i32>} : memref<8192xf32, #tpu.memory_space<vmem>>, vector<16xf32>,
      %parallel_loop3A_699 = tpu.vector_load_idx %arg9[%parallel_loop3A_695] : memref<160xf32, #tpu.memory_space<vmem>>[vector<16xi32>], vector<16xf32>,
      %parallel_loop3A_700 = arith.index_cast %parallel_loop3A_693 : i32 to index
      %parallel_loop3A_701 = tpu.vector_load %arg17[%parallel_loop3A_700] {strides = array<i32>} : memref<8192xf32, #tpu.memory_space<vmem>>, vector<16xf32>,
      tpu.vector_store %arg17[%parallel_loop3A_700], %parallel_loop3A_699 {strides = array<i32>} : memref<8192xf32, #tpu.memory_space<vmem>>, vector<16xf32>,
      %parallel_loop3A_702 = tpu.vector_load_idx %arg10[%parallel_loop3A_695] : memref<160xf32, #tpu.memory_space<vmem>>[vector<16xi32>], vector<16xf32>,
      %parallel_loop3A_703 = arith.index_cast %parallel_loop3A_693 : i32 to index
      %parallel_loop3A_704 = tpu.vector_load %arg18[%parallel_loop3A_703] {strides = array<i32>} : memref<8192xf32, #tpu.memory_space<vmem>>, vector<16xf32>,
      tpu.vector_store %arg18[%parallel_loop3A_703], %parallel_loop3A_702 {strides = array<i32>} : memref<8192xf32, #tpu.memory_space<vmem>>, vector<16xf32>,
    } {sc.loop_unroll_factor = 4 : i64, sc.parallel_access}
    %add3A_469 = arith.constant 24576 : i32
    %add3A_470 = arith.addi %mul3A_32, %add3A_469 : i32
    %mul3A_471 = arith.constant 3 : i32
    %mul3A_472 = arith.muli %select_n3A, %mul3A_471 : i32
    %add3A_473 = arith.constant 0 : i32
    %add3A_474 = arith.addi %mul3A_472, %add3A_473 : i32
    %mul3A_475 = arith.constant 262144 : i32
    %mul3A_476 = arith.muli %add3A_474, %mul3A_475 : i32
    %add3A_477 = arith.addi %mul3A_476, %add3A_470 : i32
    %dma_start3A_478 = tpu.memref_slice %arg5[%add3A_477] : memref<6291456xf32, #tpu.memory_space<hbm>> -> memref<8192xf32, #tpu.memory_space<hbm>>
    %dma_start3A_479 = tpu.memref_slice %arg5[%add3A_477] : memref<6291456xf32, #tpu.memory_space<hbm>> -> memref<8192xf32, #tpu.memory_space<hbm>>
    tpu.enqueue_dma source(%arg16 : memref<8192xf32, #tpu.memory_space<vmem>>) target(%dma_start3A_479 : memref<8192xf32, #tpu.memory_space<hbm>>) target_semaphore(%arg22 : memref<!tpu.dma_semaphore, #tpu.memory_space<semaphore_mem>>)
    %mul3A_480 = arith.constant 3 : i32
    %mul3A_481 = arith.muli %select_n3A, %mul3A_480 : i32
    %add3A_482 = arith.constant 1 : i32
    %add3A_483 = arith.addi %mul3A_481, %add3A_482 : i32
    %mul3A_484 = arith.constant 262144 : i32
    %mul3A_485 = arith.muli %add3A_483, %mul3A_484 : i32
    %add3A_486 = arith.addi %mul3A_485, %add3A_470 : i32
    %dma_start3A_487 = tpu.memref_slice %arg5[%add3A_486] : memref<6291456xf32, #tpu.memory_space<hbm>> -> memref<8192xf32, #tpu.memory_space<hbm>>
    %dma_start3A_488 = tpu.memref_slice %arg5[%add3A_486] : memref<6291456xf32, #tpu.memory_space<hbm>> -> memref<8192xf32, #tpu.memory_space<hbm>>
    tpu.enqueue_dma source(%arg17 : memref<8192xf32, #tpu.memory_space<vmem>>) target(%dma_start3A_488 : memref<8192xf32, #tpu.memory_space<hbm>>) target_semaphore(%arg22 : memref<!tpu.dma_semaphore, #tpu.memory_space<semaphore_mem>>)
    %mul3A_489 = arith.constant 3 : i32
    %mul3A_490 = arith.muli %select_n3A, %mul3A_489 : i32
    %add3A_491 = arith.constant 2 : i32
    %add3A_492 = arith.addi %mul3A_490, %add3A_491 : i32
    %mul3A_493 = arith.constant 262144 : i32
    %mul3A_494 = arith.muli %add3A_492, %mul3A_493 : i32
    %add3A_495 = arith.addi %mul3A_494, %add3A_470 : i32
    %dma_start3A_496 = tpu.memref_slice %arg5[%add3A_495] : memref<6291456xf32, #tpu.memory_space<hbm>> -> memref<8192xf32, #tpu.memory_space<hbm>>
    %dma_start3A_497 = tpu.memref_slice %arg5[%add3A_495] : memref<6291456xf32, #tpu.memory_space<hbm>> -> memref<8192xf32, #tpu.memory_space<hbm>>
    tpu.enqueue_dma source(%arg18 : memref<8192xf32, #tpu.memory_space<vmem>>) target(%dma_start3A_497 : memref<8192xf32, #tpu.memory_space<hbm>>) target_semaphore(%arg22 : memref<!tpu.dma_semaphore, #tpu.memory_space<semaphore_mem>>)
    %add3A_498 = arith.constant 40960 : i32
    %add3A_499 = arith.addi %mul3A_32, %add3A_498 : i32
    %mul3A_500 = arith.constant 262144 : i32
    %mul3A_501 = arith.muli %select_n3A, %mul3A_500 : i32
    %add3A_502 = arith.addi %mul3A_501, %add3A_499 : i32
    %dma_start3A_503 = tpu.memref_slice %arg2[%add3A_502] : memref<2097152xi32, #tpu.memory_space<hbm>> -> memref<8192xi32, #tpu.memory_space<hbm>>
    %dma_start3A_504 = tpu.memref_slice %arg2[%add3A_502] : memref<2097152xi32, #tpu.memory_space<hbm>> -> memref<8192xi32, #tpu.memory_space<hbm>>
    tpu.enqueue_dma source(%dma_start3A_504 : memref<8192xi32, #tpu.memory_space<hbm>>) target(%arg12 : memref<8192xi32, #tpu.memory_space<vmem>>) target_semaphore(%arg20 : memref<!tpu.dma_semaphore, #tpu.memory_space<semaphore_mem>>)
    %dma_wait3A_505 = tpu.memref_slice %arg2[%add3A_455] : memref<2097152xi32, #tpu.memory_space<hbm>> -> memref<8192xi32, #tpu.memory_space<hbm>>
    %dma_wait3A_506 = tpu.memref_slice %arg2[%add3A_455] : memref<2097152xi32, #tpu.memory_space<hbm>> -> memref<8192xi32, #tpu.memory_space<hbm>>
    tpu.wait_dma2 semaphore(%arg19 : memref<!tpu.dma_semaphore, #tpu.memory_space<semaphore_mem>>) src(%dma_wait3A_506 : memref<8192xi32, #tpu.memory_space<hbm>>) dst(%arg11 : memref<8192xi32, #tpu.memory_space<vmem>>)
    %dma_wait3A_507 = tpu.memref_slice %arg5[%add3A_430] : memref<6291456xf32, #tpu.memory_space<hbm>> -> memref<8192xf32, #tpu.memory_space<hbm>>
    %dma_wait3A_508 = tpu.memref_slice %arg5[%add3A_430] : memref<6291456xf32, #tpu.memory_space<hbm>> -> memref<8192xf32, #tpu.memory_space<hbm>>
    tpu.wait_dma2 semaphore(%arg21 : memref<!tpu.dma_semaphore, #tpu.memory_space<semaphore_mem>>) src(%arg13 : memref<8192xf32, #tpu.memory_space<vmem>>) dst(%dma_wait3A_508 : memref<8192xf32, #tpu.memory_space<hbm>>)
    %dma_wait3A_509 = tpu.memref_slice %arg5[%add3A_439] : memref<6291456xf32, #tpu.memory_space<hbm>> -> memref<8192xf32, #tpu.memory_space<hbm>>
    %dma_wait3A_510 = tpu.memref_slice %arg5[%add3A_439] : memref<6291456xf32, #tpu.memory_space<hbm>> -> memref<8192xf32, #tpu.memory_space<hbm>>
    tpu.wait_dma2 semaphore(%arg21 : memref<!tpu.dma_semaphore, #tpu.memory_space<semaphore_mem>>) src(%arg14 : memref<8192xf32, #tpu.memory_space<vmem>>) dst(%dma_wait3A_510 : memref<8192xf32, #tpu.memory_space<hbm>>)
    %dma_wait3A_511 = tpu.memref_slice %arg5[%add3A_448] : memref<6291456xf32, #tpu.memory_space<hbm>> -> memref<8192xf32, #tpu.memory_space<hbm>>
    %dma_wait3A_512 = tpu.memref_slice %arg5[%add3A_448] : memref<6291456xf32, #tpu.memory_space<hbm>> -> memref<8192xf32, #tpu.memory_space<hbm>>
    tpu.wait_dma2 semaphore(%arg21 : memref<!tpu.dma_semaphore, #tpu.memory_space<semaphore_mem>>) src(%arg15 : memref<8192xf32, #tpu.memory_space<vmem>>) dst(%dma_wait3A_512 : memref<8192xf32, #tpu.memory_space<hbm>>)
    %parallel_loop3A_513 = arith.constant 0 : i32
    %parallel_loop3A_514 = arith.constant 512 : i32
    %parallel_loop3A_515 = arith.constant 1 : i32
    scf.for %parallel_loop3A_691 = %parallel_loop3A_513 to %parallel_loop3A_514 step %parallel_loop3A_515  : i32 {
      %parallel_loop3A_692 = arith.constant 16 : i32
      %parallel_loop3A_693 = arith.muli %parallel_loop3A_691, %parallel_loop3A_692 : i32
      %parallel_loop3A_694 = arith.index_cast %parallel_loop3A_693 : i32 to index
      %parallel_loop3A_695 = tpu.vector_load %arg11[%parallel_loop3A_694] {strides = array<i32>} : memref<8192xi32, #tpu.memory_space<vmem>>, vector<16xi32>,
      %parallel_loop3A_696 = tpu.vector_load_idx %arg8[%parallel_loop3A_695] : memref<160xf32, #tpu.memory_space<vmem>>[vector<16xi32>], vector<16xf32>,
      %parallel_loop3A_697 = arith.index_cast %parallel_loop3A_693 : i32 to index
      %parallel_loop3A_698 = tpu.vector_load %arg13[%parallel_loop3A_697] {strides = array<i32>} : memref<8192xf32, #tpu.memory_space<vmem>>, vector<16xf32>,
      tpu.vector_store %arg13[%parallel_loop3A_697], %parallel_loop3A_696 {strides = array<i32>} : memref<8192xf32, #tpu.memory_space<vmem>>, vector<16xf32>,
      %parallel_loop3A_699 = tpu.vector_load_idx %arg9[%parallel_loop3A_695] : memref<160xf32, #tpu.memory_space<vmem>>[vector<16xi32>], vector<16xf32>,
      %parallel_loop3A_700 = arith.index_cast %parallel_loop3A_693 : i32 to index
      %parallel_loop3A_701 = tpu.vector_load %arg14[%parallel_loop3A_700] {strides = array<i32>} : memref<8192xf32, #tpu.memory_space<vmem>>, vector<16xf32>,
      tpu.vector_store %arg14[%parallel_loop3A_700], %parallel_loop3A_699 {strides = array<i32>} : memref<8192xf32, #tpu.memory_space<vmem>>, vector<16xf32>,
      %parallel_loop3A_702 = tpu.vector_load_idx %arg10[%parallel_loop3A_695] : memref<160xf32, #tpu.memory_space<vmem>>[vector<16xi32>], vector<16xf32>,
      %parallel_loop3A_703 = arith.index_cast %parallel_loop3A_693 : i32 to index
      %parallel_loop3A_704 = tpu.vector_load %arg15[%parallel_loop3A_703] {strides = array<i32>} : memref<8192xf32, #tpu.memory_space<vmem>>, vector<16xf32>,
      tpu.vector_store %arg15[%parallel_loop3A_703], %parallel_loop3A_702 {strides = array<i32>} : memref<8192xf32, #tpu.memory_space<vmem>>, vector<16xf32>,
    } {sc.loop_unroll_factor = 4 : i64, sc.parallel_access}
    %add3A_516 = arith.constant 32768 : i32
    %add3A_517 = arith.addi %mul3A_32, %add3A_516 : i32
    %mul3A_518 = arith.constant 3 : i32
    %mul3A_519 = arith.muli %select_n3A, %mul3A_518 : i32
    %add3A_520 = arith.constant 0 : i32
    %add3A_521 = arith.addi %mul3A_519, %add3A_520 : i32
    %mul3A_522 = arith.constant 262144 : i32
    %mul3A_523 = arith.muli %add3A_521, %mul3A_522 : i32
    %add3A_524 = arith.addi %mul3A_523, %add3A_517 : i32
    %dma_start3A_525 = tpu.memref_slice %arg5[%add3A_524] : memref<6291456xf32, #tpu.memory_space<hbm>> -> memref<8192xf32, #tpu.memory_space<hbm>>
    %dma_start3A_526 = tpu.memref_slice %arg5[%add3A_524] : memref<6291456xf32, #tpu.memory_space<hbm>> -> memref<8192xf32, #tpu.memory_space<hbm>>
    tpu.enqueue_dma source(%arg13 : memref<8192xf32, #tpu.memory_space<vmem>>) target(%dma_start3A_526 : memref<8192xf32, #tpu.memory_space<hbm>>) target_semaphore(%arg21 : memref<!tpu.dma_semaphore, #tpu.memory_space<semaphore_mem>>)
    %mul3A_527 = arith.constant 3 : i32
    %mul3A_528 = arith.muli %select_n3A, %mul3A_527 : i32
    %add3A_529 = arith.constant 1 : i32
    %add3A_530 = arith.addi %mul3A_528, %add3A_529 : i32
    %mul3A_531 = arith.constant 262144 : i32
    %mul3A_532 = arith.muli %add3A_530, %mul3A_531 : i32
    %add3A_533 = arith.addi %mul3A_532, %add3A_517 : i32
    %dma_start3A_534 = tpu.memref_slice %arg5[%add3A_533] : memref<6291456xf32, #tpu.memory_space<hbm>> -> memref<8192xf32, #tpu.memory_space<hbm>>
    %dma_start3A_535 = tpu.memref_slice %arg5[%add3A_533] : memref<6291456xf32, #tpu.memory_space<hbm>> -> memref<8192xf32, #tpu.memory_space<hbm>>
    tpu.enqueue_dma source(%arg14 : memref<8192xf32, #tpu.memory_space<vmem>>) target(%dma_start3A_535 : memref<8192xf32, #tpu.memory_space<hbm>>) target_semaphore(%arg21 : memref<!tpu.dma_semaphore, #tpu.memory_space<semaphore_mem>>)
    %mul3A_536 = arith.constant 3 : i32
    %mul3A_537 = arith.muli %select_n3A, %mul3A_536 : i32
    %add3A_538 = arith.constant 2 : i32
    %add3A_539 = arith.addi %mul3A_537, %add3A_538 : i32
    %mul3A_540 = arith.constant 262144 : i32
    %mul3A_541 = arith.muli %add3A_539, %mul3A_540 : i32
    %add3A_542 = arith.addi %mul3A_541, %add3A_517 : i32
    %dma_start3A_543 = tpu.memref_slice %arg5[%add3A_542] : memref<6291456xf32, #tpu.memory_space<hbm>> -> memref<8192xf32, #tpu.memory_space<hbm>>
    %dma_start3A_544 = tpu.memref_slice %arg5[%add3A_542] : memref<6291456xf32, #tpu.memory_space<hbm>> -> memref<8192xf32, #tpu.memory_space<hbm>>
    tpu.enqueue_dma source(%arg15 : memref<8192xf32, #tpu.memory_space<vmem>>) target(%dma_start3A_544 : memref<8192xf32, #tpu.memory_space<hbm>>) target_semaphore(%arg21 : memref<!tpu.dma_semaphore, #tpu.memory_space<semaphore_mem>>)
    %add3A_545 = arith.constant 49152 : i32
    %add3A_546 = arith.addi %mul3A_32, %add3A_545 : i32
    %mul3A_547 = arith.constant 262144 : i32
    %mul3A_548 = arith.muli %select_n3A, %mul3A_547 : i32
    %add3A_549 = arith.addi %mul3A_548, %add3A_546 : i32
    %dma_start3A_550 = tpu.memref_slice %arg2[%add3A_549] : memref<2097152xi32, #tpu.memory_space<hbm>> -> memref<8192xi32, #tpu.memory_space<hbm>>
    %dma_start3A_551 = tpu.memref_slice %arg2[%add3A_549] : memref<2097152xi32, #tpu.memory_space<hbm>> -> memref<8192xi32, #tpu.memory_space<hbm>>
    tpu.enqueue_dma source(%dma_start3A_551 : memref<8192xi32, #tpu.memory_space<hbm>>) target(%arg11 : memref<8192xi32, #tpu.memory_space<vmem>>) target_semaphore(%arg19 : memref<!tpu.dma_semaphore, #tpu.memory_space<semaphore_mem>>)
    %dma_wait3A_552 = tpu.memref_slice %arg2[%add3A_502] : memref<2097152xi32, #tpu.memory_space<hbm>> -> memref<8192xi32, #tpu.memory_space<hbm>>
    %dma_wait3A_553 = tpu.memref_slice %arg2[%add3A_502] : memref<2097152xi32, #tpu.memory_space<hbm>> -> memref<8192xi32, #tpu.memory_space<hbm>>
    tpu.wait_dma2 semaphore(%arg20 : memref<!tpu.dma_semaphore, #tpu.memory_space<semaphore_mem>>) src(%dma_wait3A_553 : memref<8192xi32, #tpu.memory_space<hbm>>) dst(%arg12 : memref<8192xi32, #tpu.memory_space<vmem>>)
    %dma_wait3A_554 = tpu.memref_slice %arg5[%add3A_477] : memref<6291456xf32, #tpu.memory_space<hbm>> -> memref<8192xf32, #tpu.memory_space<hbm>>
    %dma_wait3A_555 = tpu.memref_slice %arg5[%add3A_477] : memref<6291456xf32, #tpu.memory_space<hbm>> -> memref<8192xf32, #tpu.memory_space<hbm>>
    tpu.wait_dma2 semaphore(%arg22 : memref<!tpu.dma_semaphore, #tpu.memory_space<semaphore_mem>>) src(%arg16 : memref<8192xf32, #tpu.memory_space<vmem>>) dst(%dma_wait3A_555 : memref<8192xf32, #tpu.memory_space<hbm>>)
    %dma_wait3A_556 = tpu.memref_slice %arg5[%add3A_486] : memref<6291456xf32, #tpu.memory_space<hbm>> -> memref<8192xf32, #tpu.memory_space<hbm>>
    %dma_wait3A_557 = tpu.memref_slice %arg5[%add3A_486] : memref<6291456xf32, #tpu.memory_space<hbm>> -> memref<8192xf32, #tpu.memory_space<hbm>>
    tpu.wait_dma2 semaphore(%arg22 : memref<!tpu.dma_semaphore, #tpu.memory_space<semaphore_mem>>) src(%arg17 : memref<8192xf32, #tpu.memory_space<vmem>>) dst(%dma_wait3A_557 : memref<8192xf32, #tpu.memory_space<hbm>>)
    %dma_wait3A_558 = tpu.memref_slice %arg5[%add3A_495] : memref<6291456xf32, #tpu.memory_space<hbm>> -> memref<8192xf32, #tpu.memory_space<hbm>>
    %dma_wait3A_559 = tpu.memref_slice %arg5[%add3A_495] : memref<6291456xf32, #tpu.memory_space<hbm>> -> memref<8192xf32, #tpu.memory_space<hbm>>
    tpu.wait_dma2 semaphore(%arg22 : memref<!tpu.dma_semaphore, #tpu.memory_space<semaphore_mem>>) src(%arg18 : memref<8192xf32, #tpu.memory_space<vmem>>) dst(%dma_wait3A_559 : memref<8192xf32, #tpu.memory_space<hbm>>)
    %parallel_loop3A_560 = arith.constant 0 : i32
    %parallel_loop3A_561 = arith.constant 512 : i32
    %parallel_loop3A_562 = arith.constant 1 : i32
    scf.for %parallel_loop3A_691 = %parallel_loop3A_560 to %parallel_loop3A_561 step %parallel_loop3A_562  : i32 {
      %parallel_loop3A_692 = arith.constant 16 : i32
      %parallel_loop3A_693 = arith.muli %parallel_loop3A_691, %parallel_loop3A_692 : i32
      %parallel_loop3A_694 = arith.index_cast %parallel_loop3A_693 : i32 to index
      %parallel_loop3A_695 = tpu.vector_load %arg12[%parallel_loop3A_694] {strides = array<i32>} : memref<8192xi32, #tpu.memory_space<vmem>>, vector<16xi32>,
      %parallel_loop3A_696 = tpu.vector_load_idx %arg8[%parallel_loop3A_695] : memref<160xf32, #tpu.memory_space<vmem>>[vector<16xi32>], vector<16xf32>,
      %parallel_loop3A_697 = arith.index_cast %parallel_loop3A_693 : i32 to index
      %parallel_loop3A_698 = tpu.vector_load %arg16[%parallel_loop3A_697] {strides = array<i32>} : memref<8192xf32, #tpu.memory_space<vmem>>, vector<16xf32>,
      tpu.vector_store %arg16[%parallel_loop3A_697], %parallel_loop3A_696 {strides = array<i32>} : memref<8192xf32, #tpu.memory_space<vmem>>, vector<16xf32>,
      %parallel_loop3A_699 = tpu.vector_load_idx %arg9[%parallel_loop3A_695] : memref<160xf32, #tpu.memory_space<vmem>>[vector<16xi32>], vector<16xf32>,
      %parallel_loop3A_700 = arith.index_cast %parallel_loop3A_693 : i32 to index
      %parallel_loop3A_701 = tpu.vector_load %arg17[%parallel_loop3A_700] {strides = array<i32>} : memref<8192xf32, #tpu.memory_space<vmem>>, vector<16xf32>,
      tpu.vector_store %arg17[%parallel_loop3A_700], %parallel_loop3A_699 {strides = array<i32>} : memref<8192xf32, #tpu.memory_space<vmem>>, vector<16xf32>,
      %parallel_loop3A_702 = tpu.vector_load_idx %arg10[%parallel_loop3A_695] : memref<160xf32, #tpu.memory_space<vmem>>[vector<16xi32>], vector<16xf32>,
      %parallel_loop3A_703 = arith.index_cast %parallel_loop3A_693 : i32 to index
      %parallel_loop3A_704 = tpu.vector_load %arg18[%parallel_loop3A_703] {strides = array<i32>} : memref<8192xf32, #tpu.memory_space<vmem>>, vector<16xf32>,
      tpu.vector_store %arg18[%parallel_loop3A_703], %parallel_loop3A_702 {strides = array<i32>} : memref<8192xf32, #tpu.memory_space<vmem>>, vector<16xf32>,
    } {sc.loop_unroll_factor = 4 : i64, sc.parallel_access}
    %add3A_563 = arith.constant 40960 : i32
    %add3A_564 = arith.addi %mul3A_32, %add3A_563 : i32
    %mul3A_565 = arith.constant 3 : i32
    %mul3A_566 = arith.muli %select_n3A, %mul3A_565 : i32
    %add3A_567 = arith.constant 0 : i32
    %add3A_568 = arith.addi %mul3A_566, %add3A_567 : i32
    %mul3A_569 = arith.constant 262144 : i32
    %mul3A_570 = arith.muli %add3A_568, %mul3A_569 : i32
    %add3A_571 = arith.addi %mul3A_570, %add3A_564 : i32
    %dma_start3A_572 = tpu.memref_slice %arg5[%add3A_571] : memref<6291456xf32, #tpu.memory_space<hbm>> -> memref<8192xf32, #tpu.memory_space<hbm>>
    %dma_start3A_573 = tpu.memref_slice %arg5[%add3A_571] : memref<6291456xf32, #tpu.memory_space<hbm>> -> memref<8192xf32, #tpu.memory_space<hbm>>
    tpu.enqueue_dma source(%arg16 : memref<8192xf32, #tpu.memory_space<vmem>>) target(%dma_start3A_573 : memref<8192xf32, #tpu.memory_space<hbm>>) target_semaphore(%arg22 : memref<!tpu.dma_semaphore, #tpu.memory_space<semaphore_mem>>)
    %mul3A_574 = arith.constant 3 : i32
    %mul3A_575 = arith.muli %select_n3A, %mul3A_574 : i32
    %add3A_576 = arith.constant 1 : i32
    %add3A_577 = arith.addi %mul3A_575, %add3A_576 : i32
    %mul3A_578 = arith.constant 262144 : i32
    %mul3A_579 = arith.muli %add3A_577, %mul3A_578 : i32
    %add3A_580 = arith.addi %mul3A_579, %add3A_564 : i32
    %dma_start3A_581 = tpu.memref_slice %arg5[%add3A_580] : memref<6291456xf32, #tpu.memory_space<hbm>> -> memref<8192xf32, #tpu.memory_space<hbm>>
    %dma_start3A_582 = tpu.memref_slice %arg5[%add3A_580] : memref<6291456xf32, #tpu.memory_space<hbm>> -> memref<8192xf32, #tpu.memory_space<hbm>>
    tpu.enqueue_dma source(%arg17 : memref<8192xf32, #tpu.memory_space<vmem>>) target(%dma_start3A_582 : memref<8192xf32, #tpu.memory_space<hbm>>) target_semaphore(%arg22 : memref<!tpu.dma_semaphore, #tpu.memory_space<semaphore_mem>>)
    %mul3A_583 = arith.constant 3 : i32
    %mul3A_584 = arith.muli %select_n3A, %mul3A_583 : i32
    %add3A_585 = arith.constant 2 : i32
    %add3A_586 = arith.addi %mul3A_584, %add3A_585 : i32
    %mul3A_587 = arith.constant 262144 : i32
    %mul3A_588 = arith.muli %add3A_586, %mul3A_587 : i32
    %add3A_589 = arith.addi %mul3A_588, %add3A_564 : i32
    %dma_start3A_590 = tpu.memref_slice %arg5[%add3A_589] : memref<6291456xf32, #tpu.memory_space<hbm>> -> memref<8192xf32, #tpu.memory_space<hbm>>
    %dma_start3A_591 = tpu.memref_slice %arg5[%add3A_589] : memref<6291456xf32, #tpu.memory_space<hbm>> -> memref<8192xf32, #tpu.memory_space<hbm>>
    tpu.enqueue_dma source(%arg18 : memref<8192xf32, #tpu.memory_space<vmem>>) target(%dma_start3A_591 : memref<8192xf32, #tpu.memory_space<hbm>>) target_semaphore(%arg22 : memref<!tpu.dma_semaphore, #tpu.memory_space<semaphore_mem>>)
    %add3A_592 = arith.constant 57344 : i32
    %add3A_593 = arith.addi %mul3A_32, %add3A_592 : i32
    %mul3A_594 = arith.constant 262144 : i32
    %mul3A_595 = arith.muli %select_n3A, %mul3A_594 : i32
    %add3A_596 = arith.addi %mul3A_595, %add3A_593 : i32
    %dma_start3A_597 = tpu.memref_slice %arg2[%add3A_596] : memref<2097152xi32, #tpu.memory_space<hbm>> -> memref<8192xi32, #tpu.memory_space<hbm>>
    %dma_start3A_598 = tpu.memref_slice %arg2[%add3A_596] : memref<2097152xi32, #tpu.memory_space<hbm>> -> memref<8192xi32, #tpu.memory_space<hbm>>
    tpu.enqueue_dma source(%dma_start3A_598 : memref<8192xi32, #tpu.memory_space<hbm>>) target(%arg12 : memref<8192xi32, #tpu.memory_space<vmem>>) target_semaphore(%arg20 : memref<!tpu.dma_semaphore, #tpu.memory_space<semaphore_mem>>)
    %dma_wait3A_599 = tpu.memref_slice %arg2[%add3A_549] : memref<2097152xi32, #tpu.memory_space<hbm>> -> memref<8192xi32, #tpu.memory_space<hbm>>
    %dma_wait3A_600 = tpu.memref_slice %arg2[%add3A_549] : memref<2097152xi32, #tpu.memory_space<hbm>> -> memref<8192xi32, #tpu.memory_space<hbm>>
    tpu.wait_dma2 semaphore(%arg19 : memref<!tpu.dma_semaphore, #tpu.memory_space<semaphore_mem>>) src(%dma_wait3A_600 : memref<8192xi32, #tpu.memory_space<hbm>>) dst(%arg11 : memref<8192xi32, #tpu.memory_space<vmem>>)
    %dma_wait3A_601 = tpu.memref_slice %arg5[%add3A_524] : memref<6291456xf32, #tpu.memory_space<hbm>> -> memref<8192xf32, #tpu.memory_space<hbm>>
    %dma_wait3A_602 = tpu.memref_slice %arg5[%add3A_524] : memref<6291456xf32, #tpu.memory_space<hbm>> -> memref<8192xf32, #tpu.memory_space<hbm>>
    tpu.wait_dma2 semaphore(%arg21 : memref<!tpu.dma_semaphore, #tpu.memory_space<semaphore_mem>>) src(%arg13 : memref<8192xf32, #tpu.memory_space<vmem>>) dst(%dma_wait3A_602 : memref<8192xf32, #tpu.memory_space<hbm>>)
    %dma_wait3A_603 = tpu.memref_slice %arg5[%add3A_533] : memref<6291456xf32, #tpu.memory_space<hbm>> -> memref<8192xf32, #tpu.memory_space<hbm>>
    %dma_wait3A_604 = tpu.memref_slice %arg5[%add3A_533] : memref<6291456xf32, #tpu.memory_space<hbm>> -> memref<8192xf32, #tpu.memory_space<hbm>>
    tpu.wait_dma2 semaphore(%arg21 : memref<!tpu.dma_semaphore, #tpu.memory_space<semaphore_mem>>) src(%arg14 : memref<8192xf32, #tpu.memory_space<vmem>>) dst(%dma_wait3A_604 : memref<8192xf32, #tpu.memory_space<hbm>>)
    %dma_wait3A_605 = tpu.memref_slice %arg5[%add3A_542] : memref<6291456xf32, #tpu.memory_space<hbm>> -> memref<8192xf32, #tpu.memory_space<hbm>>
    %dma_wait3A_606 = tpu.memref_slice %arg5[%add3A_542] : memref<6291456xf32, #tpu.memory_space<hbm>> -> memref<8192xf32, #tpu.memory_space<hbm>>
    tpu.wait_dma2 semaphore(%arg21 : memref<!tpu.dma_semaphore, #tpu.memory_space<semaphore_mem>>) src(%arg15 : memref<8192xf32, #tpu.memory_space<vmem>>) dst(%dma_wait3A_606 : memref<8192xf32, #tpu.memory_space<hbm>>)
    %parallel_loop3A_607 = arith.constant 0 : i32
    %parallel_loop3A_608 = arith.constant 512 : i32
    %parallel_loop3A_609 = arith.constant 1 : i32
    scf.for %parallel_loop3A_691 = %parallel_loop3A_607 to %parallel_loop3A_608 step %parallel_loop3A_609  : i32 {
      %parallel_loop3A_692 = arith.constant 16 : i32
      %parallel_loop3A_693 = arith.muli %parallel_loop3A_691, %parallel_loop3A_692 : i32
      %parallel_loop3A_694 = arith.index_cast %parallel_loop3A_693 : i32 to index
      %parallel_loop3A_695 = tpu.vector_load %arg11[%parallel_loop3A_694] {strides = array<i32>} : memref<8192xi32, #tpu.memory_space<vmem>>, vector<16xi32>,
      %parallel_loop3A_696 = tpu.vector_load_idx %arg8[%parallel_loop3A_695] : memref<160xf32, #tpu.memory_space<vmem>>[vector<16xi32>], vector<16xf32>,
      %parallel_loop3A_697 = arith.index_cast %parallel_loop3A_693 : i32 to index
      %parallel_loop3A_698 = tpu.vector_load %arg13[%parallel_loop3A_697] {strides = array<i32>} : memref<8192xf32, #tpu.memory_space<vmem>>, vector<16xf32>,
      tpu.vector_store %arg13[%parallel_loop3A_697], %parallel_loop3A_696 {strides = array<i32>} : memref<8192xf32, #tpu.memory_space<vmem>>, vector<16xf32>,
      %parallel_loop3A_699 = tpu.vector_load_idx %arg9[%parallel_loop3A_695] : memref<160xf32, #tpu.memory_space<vmem>>[vector<16xi32>], vector<16xf32>,
      %parallel_loop3A_700 = arith.index_cast %parallel_loop3A_693 : i32 to index
      %parallel_loop3A_701 = tpu.vector_load %arg14[%parallel_loop3A_700] {strides = array<i32>} : memref<8192xf32, #tpu.memory_space<vmem>>, vector<16xf32>,
      tpu.vector_store %arg14[%parallel_loop3A_700], %parallel_loop3A_699 {strides = array<i32>} : memref<8192xf32, #tpu.memory_space<vmem>>, vector<16xf32>,
      %parallel_loop3A_702 = tpu.vector_load_idx %arg10[%parallel_loop3A_695] : memref<160xf32, #tpu.memory_space<vmem>>[vector<16xi32>], vector<16xf32>,
      %parallel_loop3A_703 = arith.index_cast %parallel_loop3A_693 : i32 to index
      %parallel_loop3A_704 = tpu.vector_load %arg15[%parallel_loop3A_703] {strides = array<i32>} : memref<8192xf32, #tpu.memory_space<vmem>>, vector<16xf32>,
      tpu.vector_store %arg15[%parallel_loop3A_703], %parallel_loop3A_702 {strides = array<i32>} : memref<8192xf32, #tpu.memory_space<vmem>>, vector<16xf32>,
    } {sc.loop_unroll_factor = 4 : i64, sc.parallel_access}
    %add3A_610 = arith.constant 49152 : i32
    %add3A_611 = arith.addi %mul3A_32, %add3A_610 : i32
    %mul3A_612 = arith.constant 3 : i32
    %mul3A_613 = arith.muli %select_n3A, %mul3A_612 : i32
    %add3A_614 = arith.constant 0 : i32
    %add3A_615 = arith.addi %mul3A_613, %add3A_614 : i32
    %mul3A_616 = arith.constant 262144 : i32
    %mul3A_617 = arith.muli %add3A_615, %mul3A_616 : i32
    %add3A_618 = arith.addi %mul3A_617, %add3A_611 : i32
    %dma_start3A_619 = tpu.memref_slice %arg5[%add3A_618] : memref<6291456xf32, #tpu.memory_space<hbm>> -> memref<8192xf32, #tpu.memory_space<hbm>>
    %dma_start3A_620 = tpu.memref_slice %arg5[%add3A_618] : memref<6291456xf32, #tpu.memory_space<hbm>> -> memref<8192xf32, #tpu.memory_space<hbm>>
    tpu.enqueue_dma source(%arg13 : memref<8192xf32, #tpu.memory_space<vmem>>) target(%dma_start3A_620 : memref<8192xf32, #tpu.memory_space<hbm>>) target_semaphore(%arg21 : memref<!tpu.dma_semaphore, #tpu.memory_space<semaphore_mem>>)
    %mul3A_621 = arith.constant 3 : i32
    %mul3A_622 = arith.muli %select_n3A, %mul3A_621 : i32
    %add3A_623 = arith.constant 1 : i32
    %add3A_624 = arith.addi %mul3A_622, %add3A_623 : i32
    %mul3A_625 = arith.constant 262144 : i32
    %mul3A_626 = arith.muli %add3A_624, %mul3A_625 : i32
    %add3A_627 = arith.addi %mul3A_626, %add3A_611 : i32
    %dma_start3A_628 = tpu.memref_slice %arg5[%add3A_627] : memref<6291456xf32, #tpu.memory_space<hbm>> -> memref<8192xf32, #tpu.memory_space<hbm>>
    %dma_start3A_629 = tpu.memref_slice %arg5[%add3A_627] : memref<6291456xf32, #tpu.memory_space<hbm>> -> memref<8192xf32, #tpu.memory_space<hbm>>
    tpu.enqueue_dma source(%arg14 : memref<8192xf32, #tpu.memory_space<vmem>>) target(%dma_start3A_629 : memref<8192xf32, #tpu.memory_space<hbm>>) target_semaphore(%arg21 : memref<!tpu.dma_semaphore, #tpu.memory_space<semaphore_mem>>)
    %mul3A_630 = arith.constant 3 : i32
    %mul3A_631 = arith.muli %select_n3A, %mul3A_630 : i32
    %add3A_632 = arith.constant 2 : i32
    %add3A_633 = arith.addi %mul3A_631, %add3A_632 : i32
    %mul3A_634 = arith.constant 262144 : i32
    %mul3A_635 = arith.muli %add3A_633, %mul3A_634 : i32
    %add3A_636 = arith.addi %mul3A_635, %add3A_611 : i32
    %dma_start3A_637 = tpu.memref_slice %arg5[%add3A_636] : memref<6291456xf32, #tpu.memory_space<hbm>> -> memref<8192xf32, #tpu.memory_space<hbm>>
    %dma_start3A_638 = tpu.memref_slice %arg5[%add3A_636] : memref<6291456xf32, #tpu.memory_space<hbm>> -> memref<8192xf32, #tpu.memory_space<hbm>>
    tpu.enqueue_dma source(%arg15 : memref<8192xf32, #tpu.memory_space<vmem>>) target(%dma_start3A_638 : memref<8192xf32, #tpu.memory_space<hbm>>) target_semaphore(%arg21 : memref<!tpu.dma_semaphore, #tpu.memory_space<semaphore_mem>>)
    %dma_wait3A_639 = tpu.memref_slice %arg2[%add3A_596] : memref<2097152xi32, #tpu.memory_space<hbm>> -> memref<8192xi32, #tpu.memory_space<hbm>>
    %dma_wait3A_640 = tpu.memref_slice %arg2[%add3A_596] : memref<2097152xi32, #tpu.memory_space<hbm>> -> memref<8192xi32, #tpu.memory_space<hbm>>
    tpu.wait_dma2 semaphore(%arg20 : memref<!tpu.dma_semaphore, #tpu.memory_space<semaphore_mem>>) src(%dma_wait3A_640 : memref<8192xi32, #tpu.memory_space<hbm>>) dst(%arg12 : memref<8192xi32, #tpu.memory_space<vmem>>)
    %dma_wait3A_641 = tpu.memref_slice %arg5[%add3A_571] : memref<6291456xf32, #tpu.memory_space<hbm>> -> memref<8192xf32, #tpu.memory_space<hbm>>
    %dma_wait3A_642 = tpu.memref_slice %arg5[%add3A_571] : memref<6291456xf32, #tpu.memory_space<hbm>> -> memref<8192xf32, #tpu.memory_space<hbm>>
    tpu.wait_dma2 semaphore(%arg22 : memref<!tpu.dma_semaphore, #tpu.memory_space<semaphore_mem>>) src(%arg16 : memref<8192xf32, #tpu.memory_space<vmem>>) dst(%dma_wait3A_642 : memref<8192xf32, #tpu.memory_space<hbm>>)
    %dma_wait3A_643 = tpu.memref_slice %arg5[%add3A_580] : memref<6291456xf32, #tpu.memory_space<hbm>> -> memref<8192xf32, #tpu.memory_space<hbm>>
    %dma_wait3A_644 = tpu.memref_slice %arg5[%add3A_580] : memref<6291456xf32, #tpu.memory_space<hbm>> -> memref<8192xf32, #tpu.memory_space<hbm>>
    tpu.wait_dma2 semaphore(%arg22 : memref<!tpu.dma_semaphore, #tpu.memory_space<semaphore_mem>>) src(%arg17 : memref<8192xf32, #tpu.memory_space<vmem>>) dst(%dma_wait3A_644 : memref<8192xf32, #tpu.memory_space<hbm>>)
    %dma_wait3A_645 = tpu.memref_slice %arg5[%add3A_589] : memref<6291456xf32, #tpu.memory_space<hbm>> -> memref<8192xf32, #tpu.memory_space<hbm>>
    %dma_wait3A_646 = tpu.memref_slice %arg5[%add3A_589] : memref<6291456xf32, #tpu.memory_space<hbm>> -> memref<8192xf32, #tpu.memory_space<hbm>>
    tpu.wait_dma2 semaphore(%arg22 : memref<!tpu.dma_semaphore, #tpu.memory_space<semaphore_mem>>) src(%arg18 : memref<8192xf32, #tpu.memory_space<vmem>>) dst(%dma_wait3A_646 : memref<8192xf32, #tpu.memory_space<hbm>>)
    %parallel_loop3A_647 = arith.constant 0 : i32
    %parallel_loop3A_648 = arith.constant 512 : i32
    %parallel_loop3A_649 = arith.constant 1 : i32
    scf.for %parallel_loop3A_691 = %parallel_loop3A_647 to %parallel_loop3A_648 step %parallel_loop3A_649  : i32 {
      %parallel_loop3A_692 = arith.constant 16 : i32
      %parallel_loop3A_693 = arith.muli %parallel_loop3A_691, %parallel_loop3A_692 : i32
      %parallel_loop3A_694 = arith.index_cast %parallel_loop3A_693 : i32 to index
      %parallel_loop3A_695 = tpu.vector_load %arg12[%parallel_loop3A_694] {strides = array<i32>} : memref<8192xi32, #tpu.memory_space<vmem>>, vector<16xi32>,
      %parallel_loop3A_696 = tpu.vector_load_idx %arg8[%parallel_loop3A_695] : memref<160xf32, #tpu.memory_space<vmem>>[vector<16xi32>], vector<16xf32>,
      %parallel_loop3A_697 = arith.index_cast %parallel_loop3A_693 : i32 to index
      %parallel_loop3A_698 = tpu.vector_load %arg16[%parallel_loop3A_697] {strides = array<i32>} : memref<8192xf32, #tpu.memory_space<vmem>>, vector<16xf32>,
      tpu.vector_store %arg16[%parallel_loop3A_697], %parallel_loop3A_696 {strides = array<i32>} : memref<8192xf32, #tpu.memory_space<vmem>>, vector<16xf32>,
      %parallel_loop3A_699 = tpu.vector_load_idx %arg9[%parallel_loop3A_695] : memref<160xf32, #tpu.memory_space<vmem>>[vector<16xi32>], vector<16xf32>,
      %parallel_loop3A_700 = arith.index_cast %parallel_loop3A_693 : i32 to index
      %parallel_loop3A_701 = tpu.vector_load %arg17[%parallel_loop3A_700] {strides = array<i32>} : memref<8192xf32, #tpu.memory_space<vmem>>, vector<16xf32>,
      tpu.vector_store %arg17[%parallel_loop3A_700], %parallel_loop3A_699 {strides = array<i32>} : memref<8192xf32, #tpu.memory_space<vmem>>, vector<16xf32>,
      %parallel_loop3A_702 = tpu.vector_load_idx %arg10[%parallel_loop3A_695] : memref<160xf32, #tpu.memory_space<vmem>>[vector<16xi32>], vector<16xf32>,
      %parallel_loop3A_703 = arith.index_cast %parallel_loop3A_693 : i32 to index
      %parallel_loop3A_704 = tpu.vector_load %arg18[%parallel_loop3A_703] {strides = array<i32>} : memref<8192xf32, #tpu.memory_space<vmem>>, vector<16xf32>,
      tpu.vector_store %arg18[%parallel_loop3A_703], %parallel_loop3A_702 {strides = array<i32>} : memref<8192xf32, #tpu.memory_space<vmem>>, vector<16xf32>,
    } {sc.loop_unroll_factor = 4 : i64, sc.parallel_access}
    %add3A_650 = arith.constant 57344 : i32
    %add3A_651 = arith.addi %mul3A_32, %add3A_650 : i32
    %mul3A_652 = arith.constant 3 : i32
    %mul3A_653 = arith.muli %select_n3A, %mul3A_652 : i32
    %add3A_654 = arith.constant 0 : i32
    %add3A_655 = arith.addi %mul3A_653, %add3A_654 : i32
    %mul3A_656 = arith.constant 262144 : i32
    %mul3A_657 = arith.muli %add3A_655, %mul3A_656 : i32
    %add3A_658 = arith.addi %mul3A_657, %add3A_651 : i32
    %dma_start3A_659 = tpu.memref_slice %arg5[%add3A_658] : memref<6291456xf32, #tpu.memory_space<hbm>> -> memref<8192xf32, #tpu.memory_space<hbm>>
    %dma_start3A_660 = tpu.memref_slice %arg5[%add3A_658] : memref<6291456xf32, #tpu.memory_space<hbm>> -> memref<8192xf32, #tpu.memory_space<hbm>>
    tpu.enqueue_dma source(%arg16 : memref<8192xf32, #tpu.memory_space<vmem>>) target(%dma_start3A_660 : memref<8192xf32, #tpu.memory_space<hbm>>) target_semaphore(%arg22 : memref<!tpu.dma_semaphore, #tpu.memory_space<semaphore_mem>>)
    %mul3A_661 = arith.constant 3 : i32
    %mul3A_662 = arith.muli %select_n3A, %mul3A_661 : i32
    %add3A_663 = arith.constant 1 : i32
    %add3A_664 = arith.addi %mul3A_662, %add3A_663 : i32
    %mul3A_665 = arith.constant 262144 : i32
    %mul3A_666 = arith.muli %add3A_664, %mul3A_665 : i32
    %add3A_667 = arith.addi %mul3A_666, %add3A_651 : i32
    %dma_start3A_668 = tpu.memref_slice %arg5[%add3A_667] : memref<6291456xf32, #tpu.memory_space<hbm>> -> memref<8192xf32, #tpu.memory_space<hbm>>
    %dma_start3A_669 = tpu.memref_slice %arg5[%add3A_667] : memref<6291456xf32, #tpu.memory_space<hbm>> -> memref<8192xf32, #tpu.memory_space<hbm>>
    tpu.enqueue_dma source(%arg17 : memref<8192xf32, #tpu.memory_space<vmem>>) target(%dma_start3A_669 : memref<8192xf32, #tpu.memory_space<hbm>>) target_semaphore(%arg22 : memref<!tpu.dma_semaphore, #tpu.memory_space<semaphore_mem>>)
    %mul3A_670 = arith.constant 3 : i32
    %mul3A_671 = arith.muli %select_n3A, %mul3A_670 : i32
    %add3A_672 = arith.constant 2 : i32
    %add3A_673 = arith.addi %mul3A_671, %add3A_672 : i32
    %mul3A_674 = arith.constant 262144 : i32
    %mul3A_675 = arith.muli %add3A_673, %mul3A_674 : i32
    %add3A_676 = arith.addi %mul3A_675, %add3A_651 : i32
    %dma_start3A_677 = tpu.memref_slice %arg5[%add3A_676] : memref<6291456xf32, #tpu.memory_space<hbm>> -> memref<8192xf32, #tpu.memory_space<hbm>>
    %dma_start3A_678 = tpu.memref_slice %arg5[%add3A_676] : memref<6291456xf32, #tpu.memory_space<hbm>> -> memref<8192xf32, #tpu.memory_space<hbm>>
    tpu.enqueue_dma source(%arg18 : memref<8192xf32, #tpu.memory_space<vmem>>) target(%dma_start3A_678 : memref<8192xf32, #tpu.memory_space<hbm>>) target_semaphore(%arg22 : memref<!tpu.dma_semaphore, #tpu.memory_space<semaphore_mem>>)
    %dma_wait3A_679 = tpu.memref_slice %arg5[%add3A_618] : memref<6291456xf32, #tpu.memory_space<hbm>> -> memref<8192xf32, #tpu.memory_space<hbm>>
    %dma_wait3A_680 = tpu.memref_slice %arg5[%add3A_618] : memref<6291456xf32, #tpu.memory_space<hbm>> -> memref<8192xf32, #tpu.memory_space<hbm>>
    tpu.wait_dma2 semaphore(%arg21 : memref<!tpu.dma_semaphore, #tpu.memory_space<semaphore_mem>>) src(%arg13 : memref<8192xf32, #tpu.memory_space<vmem>>) dst(%dma_wait3A_680 : memref<8192xf32, #tpu.memory_space<hbm>>)
    %dma_wait3A_681 = tpu.memref_slice %arg5[%add3A_627] : memref<6291456xf32, #tpu.memory_space<hbm>> -> memref<8192xf32, #tpu.memory_space<hbm>>
    %dma_wait3A_682 = tpu.memref_slice %arg5[%add3A_627] : memref<6291456xf32, #tpu.memory_space<hbm>> -> memref<8192xf32, #tpu.memory_space<hbm>>
    tpu.wait_dma2 semaphore(%arg21 : memref<!tpu.dma_semaphore, #tpu.memory_space<semaphore_mem>>) src(%arg14 : memref<8192xf32, #tpu.memory_space<vmem>>) dst(%dma_wait3A_682 : memref<8192xf32, #tpu.memory_space<hbm>>)
    %dma_wait3A_683 = tpu.memref_slice %arg5[%add3A_636] : memref<6291456xf32, #tpu.memory_space<hbm>> -> memref<8192xf32, #tpu.memory_space<hbm>>
    %dma_wait3A_684 = tpu.memref_slice %arg5[%add3A_636] : memref<6291456xf32, #tpu.memory_space<hbm>> -> memref<8192xf32, #tpu.memory_space<hbm>>
    tpu.wait_dma2 semaphore(%arg21 : memref<!tpu.dma_semaphore, #tpu.memory_space<semaphore_mem>>) src(%arg15 : memref<8192xf32, #tpu.memory_space<vmem>>) dst(%dma_wait3A_684 : memref<8192xf32, #tpu.memory_space<hbm>>)
    %dma_wait3A_685 = tpu.memref_slice %arg5[%add3A_658] : memref<6291456xf32, #tpu.memory_space<hbm>> -> memref<8192xf32, #tpu.memory_space<hbm>>
    %dma_wait3A_686 = tpu.memref_slice %arg5[%add3A_658] : memref<6291456xf32, #tpu.memory_space<hbm>> -> memref<8192xf32, #tpu.memory_space<hbm>>
    tpu.wait_dma2 semaphore(%arg22 : memref<!tpu.dma_semaphore, #tpu.memory_space<semaphore_mem>>) src(%arg16 : memref<8192xf32, #tpu.memory_space<vmem>>) dst(%dma_wait3A_686 : memref<8192xf32, #tpu.memory_space<hbm>>)
    %dma_wait3A_687 = tpu.memref_slice %arg5[%add3A_667] : memref<6291456xf32, #tpu.memory_space<hbm>> -> memref<8192xf32, #tpu.memory_space<hbm>>
    %dma_wait3A_688 = tpu.memref_slice %arg5[%add3A_667] : memref<6291456xf32, #tpu.memory_space<hbm>> -> memref<8192xf32, #tpu.memory_space<hbm>>
    tpu.wait_dma2 semaphore(%arg22 : memref<!tpu.dma_semaphore, #tpu.memory_space<semaphore_mem>>) src(%arg17 : memref<8192xf32, #tpu.memory_space<vmem>>) dst(%dma_wait3A_688 : memref<8192xf32, #tpu.memory_space<hbm>>)
    %dma_wait3A_689 = tpu.memref_slice %arg5[%add3A_676] : memref<6291456xf32, #tpu.memory_space<hbm>> -> memref<8192xf32, #tpu.memory_space<hbm>>
    %dma_wait3A_690 = tpu.memref_slice %arg5[%add3A_676] : memref<6291456xf32, #tpu.memory_space<hbm>> -> memref<8192xf32, #tpu.memory_space<hbm>>
    tpu.wait_dma2 semaphore(%arg22 : memref<!tpu.dma_semaphore, #tpu.memory_space<semaphore_mem>>) src(%arg18 : memref<8192xf32, #tpu.memory_space<vmem>>) dst(%dma_wait3A_690 : memref<8192xf32, #tpu.memory_space<hbm>>)
    return
  }
}

</mosaic_0001>

<sc_bundles>
// kernel: kernel.3.cloned.1.call-start
scs
__scs_entry_jumppad:
0x0: {  	(pc) =	sbr.rel $0x88, $3  }
0x1: {  	(tag) =	ssettag $0x0;
	lr =	simm.s32 $0x1  }
0x2: {  	[smem:$0x3F9E] =	sst lr;
	_ =	strace $0xD0000000  }
0x3: {  	_ = 	snop  }
0x4: {  	_ = 	snop  }
0x5: {  	_ = 	snop  }
0x6: {  	_ = 	snop  }
0x7: {  	_ = 	snop  }
__scs_overlays_trampoline_lowered:
0x8: {  	[smem:$0x3FAD] =	sst s0  }
0x9: {  	[smem:$0x3FAE] =	sst s1  }
0xa: {  	[smem:$0x3FAF] =	sst s2  }
0xb: {  	[smem:$0x3FB0] =	sst s3  }
0xc: {  	[smem:$0x3FB1] =	sst s4  }
0xd: {  	[smem:$0x3FB2] =	sst s5  }
0xe: {  	[smem:$0x3FB3] =	sst s6  }
0xf: {  	[smem:$0x3FB4] =	sst s7  }
0x10: {  	[smem:$0x3FB5] =	sst s8  }
0x11: {  	[smem:$0x3FB6] =	sst s9;
	s0 =	simm.s32 @!p0 $0x0  }
0x12: {  	s1 =	sld [smem:$0x3F9C];
	s0 =	simm.s32 @p0 $0x1  }
0x13: {  	[smem:$0x3FB7] =	sst s0;
	s0 =	simm.s32 @!p1 $0x0  }
0x14: {  	s2 =	sld [smem:$0x3F9B];
	s0 =	simm.s32 @p1 $0x1  }
0x15: {  	[smem:$0x3FB8] =	sst s0;
	s0 =	simm.s32 @!p2 $0x0  }
0x16: {  	s3 =	sld [smem:$0x3FDB];
	s0 =	simm.s32 @p2 $0x1  }
0x17: {  	s4 =	simm.s32 $0x1BF5;
	[smem:$0x3FBA] =	sst s0  }
0x18: {  	s0 =	sld [smem:$0x3F9D];
	_ =	swait.ge [sflag:s4], $0x0  }
0x19: {  	s7 =	sld [smem:$0x3F9E]  }
0x1a: {  	s8 =	sadd.s32 $0xFFFFE003, lr  }
0x1b: {  	s9 =	sadd.s32 $0xFFFFFEF7, lr;
	s5 =	simm.s32 $0xFFFFFFFF;
	p2 =	slt.u32 s8, $0xFFFFF086  }
0x1c: {  	p1 =	slt.u32 s9, $0xF7A;
	s5 =	simm.s32 @!p2 $0x0  }
0x1d: {  	s5 =	simm.s32 @p1 $0x1;
	p0 =	seq.s32 s7, s2  }
0x1e: {  	s7 =	smul.u32 @!p0 $0xF7A, s2;
	p2 =	seq.s32 @!p0 s5, $0x0  }
0x1f: {  	s9 =	smul.u32 $0xF7A, s1;
	s8 =	simm.s32 @!p0 $0x1BF5;
	p2 =	por !p2, p0  }
0x20: {  	[sflag:s8] =	ssyncset.s32 @!p0 $0xFFFFF086;
	s6 =	sadd.s32 @!p0 s3, s7;
	s7 =	simm.s32 @!p0 $0x108  }
0x21: {  	s3 =	sadd.s32 s3, s9;
	s6 =	sadd.s32 @!p0 $0x88, s6;
	s7 =	simm.s32 @p2 $0x1082  }
0x22: {  	[simem:s7], [sflag:s8] =	dma.local @!p0 [hbm:s6], $0xF7A  }
0x23: {  	s9 =	sor.u32 $0xD0000000, s2;
	s6 =	simm.s32 $0x108;
	_ =	swait.ge @!p0 [sflag:s8], $0x0  }
0x24: {  	s3 =	sadd.s32 $0x88, s3;
	s6 =	simm.s32 @!p1 $0x1082;
	[sflag:s4] =	ssyncset.s32 $0xFFFFF086  }
0x25: {  	[simem:s6], [sflag:s4] =	dma.local [hbm:s3], $0xF7A  }
0x26: {  	[smem:$0x3F9E] =	sst s1;
	(tag) =	ssettag s2;
	_ =	strace s9  }
0x27: {  	s1 =	sld [smem:$0x3FAE]  }
0x28: {  	s2 =	sld [smem:$0x3FAF]  }
0x29: {  	s4 =	sld [smem:$0x3FB1]  }
0x2a: {  	p0 =	seq.s32 s5, $0x0;
	s5 =	sld [smem:$0x3FB2]  }
0x2b: {  	s6 =	sld [smem:$0x3FB3]  }
0x2c: {  	s7 =	sld [smem:$0x3FB4]  }
0x2d: {  	s3 =	simm.s32 $0x108;
	s8 =	sld [smem:$0x3FB5]  }
0x2e: {  	s3 =	simm.s32 @!p0 $0x1082;
	s9 =	sld [smem:$0x3FB6]  }
0x2f: {  	lr =	sadd.s32 s0, s3;
	s0 =	sld [smem:$0x3FAD]  }
0x30: {  	s3 =	sld [smem:$0x3FB0]  }
0x31: {  	[smem:$0x3FB9] =	sst s10  }
0x32: {  	s10 =	sld [smem:$0x3FB7];
	_ =	sdelay $0x3  }
0x33: {  	p0 =	seq.s32 s10, $0x1;
	s10 =	sld [smem:$0x3FB9];
	_ =	sdelay $0x3  }
0x34: {  	[smem:$0x3FB9] =	sst s10  }
0x35: {  	s10 =	sld [smem:$0x3FB8];
	_ =	sdelay $0x3  }
0x36: {  	p1 =	seq.s32 s10, $0x1;
	s10 =	sld [smem:$0x3FB9];
	_ =	sdelay $0x3  }
0x37: {  	[smem:$0x3FB9] =	sst s10  }
0x38: {  	s10 =	sld [smem:$0x3FBA]  }
0x39: {  	_ = 	snop;
	(pc) =	sbr.ind lr, $3  }
0x3a: {  	_ = 	snop  }
0x3b: {  	_ = 	snop  }
0x3c: {  	p2 =	seq.s32 s10, $0x1;
	s10 =	sld [smem:$0x3FB9]  }
0x3d: {  	_ =	shalt  }
0x3e: {  	_ =	shalt  }
0x3f: {  	_ =	shalt  }
0x40: {  	_ =	shalt  }
0x41: {  	_ =	shalt  }
0x42: {  	_ =	shalt  }
0x43: {  	_ =	shalt  }
0x44: {  	_ =	shalt  }
0x45: {  	_ =	shalt  }
0x46: {  	_ =	shalt  }
0x47: {  	_ =	shalt  }
0x48: {  	_ =	shalt  }
0x49: {  	_ =	shalt  }
0x4a: {  	_ =	shalt  }
0x4b: {  	_ =	shalt  }
0x4c: {  	_ =	shalt  }
0x4d: {  	_ =	shalt  }
0x4e: {  	_ =	shalt  }
0x4f: {  	_ =	shalt  }
0x50: {  	_ =	shalt  }
0x51: {  	_ =	shalt  }
0x52: {  	_ =	shalt  }
0x53: {  	_ =	shalt  }
0x54: {  	_ =	shalt  }
0x55: {  	_ =	shalt  }
0x56: {  	_ =	shalt  }
0x57: {  	_ =	shalt  }
0x58: {  	_ =	shalt  }
0x59: {  	_ =	shalt  }
0x5a: {  	_ =	shalt  }
0x5b: {  	_ =	shalt  }
0x5c: {  	_ =	shalt  }
0x5d: {  	_ =	shalt  }
0x5e: {  	_ =	shalt  }
0x5f: {  	_ =	shalt  }
0x60: {  	_ =	shalt  }
0x61: {  	_ =	shalt  }
0x62: {  	_ =	shalt  }
0x63: {  	_ =	shalt  }
0x64: {  	_ =	shalt  }
0x65: {  	_ =	shalt  }
0x66: {  	_ =	shalt  }
0x67: {  	_ =	shalt  }
0x68: {  	_ =	shalt  }
0x69: {  	_ =	shalt  }
0x6a: {  	_ =	shalt  }
0x6b: {  	_ =	shalt  }
0x6c: {  	_ =	shalt  }
0x6d: {  	_ =	shalt  }
0x6e: {  	_ =	shalt  }
0x6f: {  	_ =	shalt  }
0x70: {  	_ =	shalt  }
0x71: {  	_ =	shalt  }
0x72: {  	_ =	shalt  }
0x73: {  	_ =	shalt  }
0x74: {  	_ =	shalt  }
0x75: {  	_ =	shalt  }
0x76: {  	_ =	shalt  }
0x77: {  	_ =	shalt  }
0x78: {  	_ =	shalt  }
0x79: {  	_ =	shalt  }
0x7a: {  	_ =	shalt  }
0x7b: {  	_ =	shalt  }
0x7c: {  	_ =	shalt  }
0x7d: {  	_ =	shalt  }
0x7e: {  	_ =	shalt  }
0x7f: {  	_ =	shalt  }
0x80: {  	_ =	shalt  }
0x81: {  	_ =	shalt  }
0x82: {  	_ =	shalt  }
0x83: {  	_ =	shalt  }
0x84: {  	_ =	shalt  }
0x85: {  	_ =	shalt  }
0x86: {  	_ =	shalt  }
0x87: {  	_ =	shalt  }
.Lfunc_end0:
.L_simem_size_0:
called_computation_lowered:
.L_overlay_start_0:
0x88: {  	s2 =	sld [smem:$0x3FD9]  }
0x89: {  	s3 =	sld [smem:$0x3FFE];
	_ =	sdelay $0x1  }
0x8a: {  	s1 =	srdreg.scid  }
0x8b: {  	s0 =	sand.u32 $0x1, s1  }
0x8c: {  	s17 =	sshll.u32 s0, $0xA;
	s2 =	sadd.s32 s3, s2  }
0x8d: {  	s2 =	sadd.s32 s2, s17  }
0x8e: {  	[smem:$0x3FC5] =	sst s2  }
0x8f: {  	_ = 	snop  }
0x90: {  	s2 =	sld [smem:$0x3FC9]  }
0x91: {  	s18 =	sld [smem:$0x3FC7]  }
0x92: {  	s4 =	sld [smem:$0x3FD0];
	(tm) =	ssettm $0x1  }
0x93: {  	s5 =	sld [smem:$0x3FFB];
	_ =	sdelay $0x3  }
0x94: {  	_ =	strace s5  }
0x95: {  	s5 =	sld [smem:$0x3FFC];
	_ =	sdelay $0x3  }
0x96: {  	_ =	strace s5  }
0x97: {  	s5 =	sld [smem:$0x3FFD];
	_ =	sdelay $0x3  }
0x98: {  	_ =	strace s5  }
0x99: {  	_ =	strace $0x8FFFFFFF  }
0x9a: {  	s19 =	sld [smem:$0x3FDB];
	_ =	sdelay $0x1  }
0x9b: {  	s6 =	simm.s32 $_scs_section_size  }
0x9c: {  	s7 =	simm.s32 $_size__tile_overlayer_lowered;
	s8 =	simm.s32 $_tile_overlayer_lowered  }
0x9d: {  	s22 =	simm.s32 $0x1BFF;
	s21 =	sshll.u32 s8, $0x1;
	s5 =	sadd.s32 s6, s19  }
0x9e: {  	s9 =	simm.s32 $0x0;
	s20 =	sshll.u32 s7, $0x1;
	s7 =	sadd.s32 s21, s5  }
0x9f: {  	[timem:s9], [sflag:s22] =	dma.local [hbm:s7], s20  }
0xa0: {  	_ =	swait.ge [sflag:s22], s20  }
0xa1: {  	s6 =	ssub.s32 $0x0, s20;
	[sflag:s22] =	ssyncset.done $0x0  }
0xa2: {  	[sflag:s22] =	ssyncadd.s32 s6;
	_ =	sdelay $0x1  }
0xa3: {  	s23 =	simm.s32 $0x1B8B  }
0xa4: {  	_ =	swait.ge [sflag:s23], $0x1  }
0xa5: {  	[sflag:s23] =	ssyncset.done $0x0  }
0xa6: {  	s25 =	simm.s32 $0x1B8E;
	s24 =	sld [smem:$0x3FFE];
	[sflag:s23] =	ssyncadd.s32 $0xFFFFFFFF  }
0xa7: {  	s26 =	simm.s32 $execute0_lowered;
	[smem:$0x3FD2] =	sst s25  }
0xa8: {  	s7 =	sshll.u32 s26, $0x1;
	_ =	strace $0x80000046;
	[dreg:$0x1] =	wrdreg $0xFFFFFFFF  }
0xa9: {  	s28 =	simm.s32 $_size_execute0_lowered;
	s5 =	sadd.s32 s5, s7;
	[dreg:$0x0] =	wrdreg $0x0  }
0xaa: {  	s7 =	sshll.u32 s28, $0x1;
	[dreg:$0x2] =	wrdreg s5  }
0xab: {  	[dreg:$0x3] =	wrdreg s7  }
0xac: {  	[dreg:$0x4] =	wrdreg $0xC0  }
0xad: {  	_ =	task [dreg:s9], $0x5FFFF  }
0xae: {  	[dreg:$0x1] =	wrdreg $0xFFFFFFFF  }
0xaf: {  	[dreg:$0x0] =	wrdreg $0x60  }
0xb0: {  	[dreg:$0x2] =	wrdreg s2  }
0xb1: {  	[dreg:$0x3] =	wrdreg s24  }
0xb2: {  	[dreg:$0x4] =	wrdreg s18  }
0xb3: {  	[dreg:$0x5] =	wrdreg s4  }
0xb4: {  	[dreg:$0x6] =	wrdreg $0x9  }
0xb5: {  	_ =	task.clear_ibuf [dreg:s9], $0x7FFFF;
	_ =	strace $0x90000046  }
0xb6: {  	s29 =	simm.s32 $0x9;
	_ =	strace $0x80000048  }
0xb7: {  	_ =	swait.ge [sflag:s29], $0x1  }
0xb8: {  	[sflag:s29] =	ssyncadd.s32 $0xFFFFFFFF  }
0xb9: {  	_ =	strace $0x90000048  }
0xba: {  	_ =	sfence  }
0xbb: {  	s30 =	sld [smem:$0x0];
	_ =	sdelay $0x2  }
0xbc: {  	s31 =	sshll.u32 s1, $0xD;
	s1 =	sshrl.u32 s1, $0x2  }
0xbd: {  	s3 =	sand.u32 $0x4000, s31;
	s1 =	sadd.s32 s1, s30  }
0xbe: {  	s0 =	sor.u32 s3, s0;
	s1 =	sshll.u32 s1, $0x11  }
0xbf: {  	s0 =	sor.u32 s1, s0  }
0xc0: {  	s0 =	sadd.s32 $0x8F2B, s0  }
0xc1: {  	[sflag:s0] =	ssyncadd.remote.s32 $0x1  }
0xc2: {  	_ =	sfence.sel $0xFFFF  }
0xc3: {  	[dreg:$0x0] =	wrdreg $0xFFFFFFFF;
	(pc) =	sbr.abs _section_cstart, $3  }
0xc4: {  	[dreg:$0x1] =	wrdreg $0xFFFFFFFF  }
0xc5: {  	_ =	task.clear_ibuf [dreg:s9], $0x2FFFF;
	_ =	strace $0x9FFFFFFF  }
0xc6: {  	(tm) =	ssettm $0x7FFFFFFF  }
0xc7: {  	_ =	shalt  }
tec
execute0_lowered:
.L_overlay_start_1:
0x0: {  	(tag) =	ssettag $0x1  }
0x1: {  	s3 =	stileid.u32  }
0x2: {  	s0 =	srdreg.scid;
	s1 =	sshll.u32 s3, $0x1  }
0x3: {  	s0 =	sand.u32 $0x1, s0;
	s3 =	sshrl.u32 s3, $0x1;
	s1 =	sand.u32 $0x2, s1  }
0x4: {  	s5 =	sshll.u32 s3, $0x12;
	s3 =	smul.u32 $0xC0000, s3;
	s1 =	sor.u32 s0, s1  }
0x5: {  	s2 =	rddreg [dreg:$0x0];
	s0 =	ssub.s32 $0x2, s0;
	s1 =	sshll.u32 s1, $0x10  }
0x6: {  	s4 =	sshrl.u32 s0, $0x1;
	s9 =	sadd.s32 $0x80000, s3;
	s6 =	sor.u32 s5, s1  }
0x7: {  	s7 =	sor.u32 $0x2000, s1;
	s4 =	ssub.s32 s0, s4;
	s23 =	sor.u32 $0x4000, s1  }
0x8: {  	s12 =	sor.u32 s9, s1;
	s24 =	sor.u32 $0x6000, s1;
	s13 =	sor.u32 $0x8000, s1  }
0x9: {  	s26 =	sor.u32 $0xA000, s1;
	s28 =	sor.u32 $0xC000, s1;
	s6 =	sshrl.u32 s6, $0x3  }
0xa: {  	s8 =	sor.u32 s5, s7;
	s10 =	sor.u32 s5, s23;
	s14 =	sor.u32 s3, s7  }
0xb: {  	s15 =	sor.u32 s5, s24;
	s16 =	sor.u32 s5, s13;
	s18 =	sor.u32 s5, s26  }
0xc: {  	s19 =	sor.u32 s5, s28;
	s20 =	sor.u32 s3, s13;
	s12 =	sshrl.u32 s12, $0x3  }
0xd: {  	s4 =	smax.u32 s4, $0x1;
	s21 =	sadd.s32 s2, s6;
	s22 =	sshrl.u32 s8, $0x3  }
0xe: {  	s8 =	sadd.s32 $0x40000, s3;
	s10 =	sshrl.u32 s10, $0x3;
	s15 =	sshrl.u32 s15, $0x3  }
0xf: {  	s16 =	sshrl.u32 s16, $0x3;
	s18 =	sshrl.u32 s18, $0x3;
	s19 =	sshrl.u32 s19, $0x3  }
0x10: {  	s6 =	sor.u32 s9, s23;
	[dreg:$0x5] =	wrdreg s21;
	s0 =	sadd.s32 s2, s22  }
0x11: {  	s11 =	sor.u32 s8, s1;
	s10 =	sadd.s32 s2, s10;
	s17 =	sor.u32 s8, s7  }
0x12: {  	s7 =	sor.u32 s9, s7;
	s15 =	sadd.s32 s2, s15;
	[dreg:$0x6] =	wrdreg s0  }
0x13: {  	s25 =	sadd.s32 s2, s16;
	s18 =	sadd.s32 s2, s18;
	[dreg:$0x7] =	wrdreg s10  }
0x14: {  	s29 =	sadd.s32 s2, s19;
	s19 =	sor.u32 s8, s24;
	[dreg:$0x8] =	wrdreg s15  }
0x15: {  	s21 =	sor.u32 s8, s13;
	s13 =	sor.u32 s9, s13;
	[dreg:$0x9] =	wrdreg s25  }
0x16: {  	s22 =	sor.u32 s3, s26;
	s16 =	sor.u32 s9, s28;
	[dreg:$0xa] =	wrdreg s18  }
0x17: {  	s0 =	sor.u32 s3, s1;
	s1 =	sor.u32 $0xE000, s1;
	[dreg:$0xb] =	wrdreg s29  }
0x18: {  	s18 =	sor.u32 s3, s24;
	s10 =	sor.u32 s9, s24;
	s15 =	sor.u32 s9, s26  }
0x19: {  	s24 =	sor.u32 s3, s28;
	s25 =	sor.u32 s8, s28;
	s5 =	sor.u32 s5, s1  }
0x1a: {  	s11 =	sshrl.u32 s11, $0x3;
	s28 =	sshrl.u32 s14, $0x3;
	s5 =	sshrl.u32 s5, $0x3  }
0x1b: {  	s13 =	sshrl.u32 s13, $0x3;
	s0 =	sshrl.u32 s0, $0x3;
	s2 =	sadd.s32 s2, s5  }
0x1c: {  	s5 =	sor.u32 s8, s23;
	[dreg:$0xc] =	wrdreg s2;
	s2 =	sor.u32 s3, s23  }
0x1d: {  	s23 =	sor.u32 s8, s26;
	s3 =	sor.u32 s3, s1;
	s8 =	sor.u32 s8, s1  }
0x1e: {  	s1 =	sor.u32 s9, s1;
	s26 =	rddreg [dreg:$0x3];
	s9 =	simm.s32 $0x0  }
0x1f: {  	[smem:$0x7FF] =	sst s9;
	s0 =	sadd.s32 s26, s0;
	s29 =	sadd.s32 s26, s28  }
0x20: {  	s2 =	sshrl.u32 s2, $0x3;
	s28 =	sshrl.u32 s6, $0x3;
	s6 =	sshrl.u32 s19, $0x3  }
0x21: {  	s19 =	sshrl.u32 s15, $0x3;
	s15 =	simm.s32 $0x6700;
	[dreg:$0xd] =	wrdreg s0  }
0x22: {  	s0 =	sadd.s32 s26, s11;
	[dreg:$0x10] =	wrdreg s29;
	s11 =	sshrl.u32 s17, $0x3  }
0x23: {  	s14 =	sadd.s32 s26, s2;
	s17 =	sshrl.u32 s5, $0x3;
	s29 =	sshrl.u32 s18, $0x3  }
0x24: {  	s18 =	sshrl.u32 s23, $0x3;
	s23 =	sshrl.u32 s16, $0x3;
	s16 =	simm.s32 $0x8700  }
0x25: {  	[dreg:$0xe] =	wrdreg s0;
	s0 =	sadd.s32 s26, s12;
	s12 =	sshrl.u32 s7, $0x3  }
0x26: {  	[dreg:$0x13] =	wrdreg s14;
	s5 =	sadd.s32 s26, s29;
	s7 =	sshrl.u32 s10, $0x3  }
0x27: {  	s10 =	sshrl.u32 s20, $0x3;
	s14 =	sshrl.u32 s22, $0x3;
	s20 =	sshrl.u32 s24, $0x3  }
0x28: {  	s22 =	sshrl.u32 s25, $0x3;
	s24 =	sshrl.u32 s3, $0x3;
	s25 =	rddreg [dreg:$0x1]  }
0x29: {  	s31 =	sadd.s32 s26, s23;
	s29 =	sshrl.u32 s1, $0x3;
	[dreg:$0xf] =	wrdreg s0  }
0x2a: {  	s23 =	simm.s32 $0x0;
	s0 =	sadd.s32 s26, s11;
	[dreg:$0x16] =	wrdreg s5  }
0x2b: {  	s11 =	sadd.s32 s26, s10;
	s30 =	sadd.s32 s26, s22;
	s2 =	sadd.s32 s26, s29  }
0x2c: {  	s3 =	sadd.s32 $0x400, s25;
	s5 =	simm.s32 $0x700;
	s10 =	simm.s32 $0x1  }
0x2d: {  	s22 =	simm.s32 $0x4;
	[dreg:$0x11] =	wrdreg s0;
	s0 =	sadd.s32 s26, s12  }
0x2e: {  	[dreg:$0x19] =	wrdreg s11;
	s12 =	sshrl.u32 s21, $0x3;
	s21 =	sadd.s32 s26, s20  }
0x2f: {  	s11 =	simm.s32 $0x400;
	s20 =	simm.s32 $0xE700;
	[dreg:$0x12] =	wrdreg s0  }
0x30: {  	s0 =	sadd.s32 s26, s17;
	s17 =	sadd.s32 s26, s14;
	[dreg:$0x1f] =	wrdreg s21  }
0x31: {  	s14 =	simm.s32 $0x4700;
	s21 =	simm.s32 $0x3;
	[dreg:$0x14] =	wrdreg s0  }
0x32: {  	s0 =	sadd.s32 s26, s28;
	[dreg:$0x1c] =	wrdreg s17;
	s28 =	sshrl.u32 s8, $0x3  }
0x33: {  	s8 =	simm.s32 $0x2700;
	[dreg:$0x15] =	wrdreg s0;
	s0 =	sadd.s32 s26, s6  }
0x34: {  	s17 =	simm.s32 $0x2;
	[dreg:$0x17] =	wrdreg s0;
	s0 =	sadd.s32 s26, s7  }
0x35: {  	s1 =	sadd.s32 s26, s28;
	[dreg:$0x18] =	wrdreg s0;
	s0 =	sadd.s32 s26, s12  }
0x36: {  	s6 =	simm.s32 $0x5;
	[dreg:$0x1a] =	wrdreg s0;
	s0 =	sadd.s32 s26, s13  }
0x37: {  	s7 =	simm.s32 $0x100;
	[dreg:$0x1b] =	wrdreg s0;
	s0 =	sadd.s32 s26, s18  }
0x38: {  	s12 =	simm.s32 $0x500;
	[dreg:$0x1d] =	wrdreg s0;
	s0 =	sadd.s32 s26, s19  }
0x39: {  	s13 =	simm.s32 $0x600;
	s18 =	simm.s32 $0xA700;
	[dreg:$0x1e] =	wrdreg s0  }
0x3a: {  	s19 =	simm.s32 $0xC700;
	s0 =	sadd.s32 s26, s24;
	_ =	strace $0x80000047  }
.LBB2_1:
0x3b: {  	s24 =	rddreg [dreg:$0x5]  }
0x3c: {  	[tilespmem:s5], [sflag:$0x1] =	stream.linear.gather [hbm4b:s24+s9], $0x2000, $0x38;
	[tilespmem:$0x10700] =	vst v63  }
0x3d: {  	s25 =	rddreg [dreg:$0x2]  }
0x3e: {  	[tilespmem:s9], [sflag:$0x5] =	stream.linear.gather [hbm4b:s25+s9], $0x96, $0x38;
	[tilespmem:$0x10700] =	vst v63  }
0x3f: {  	_ =	swait.ge [sflag:s6], $0x96  }
0x40: {  	[sflag:s6] =	ssyncset.done $0x0  }
0x41: {  	[sflag:s6] =	ssyncadd.s32 $0xFFFFFF6A  }
0x42: {  	[tilespmem:s7], [sflag:$0x5] =	stream.linear.gather [hbm4b:s3+s9], $0x300, $0x38;
	[tilespmem:$0x10700] =	vst v63  }
0x43: {  	_ =	swait.ge [sflag:s6], $0x300  }
0x44: {  	[sflag:s6] =	ssyncset.done $0x0  }
0x45: {  	[sflag:s6] =	ssyncadd.s32 $0xFFFFFD00  }
0x46: {  	v0 =	vld [tilespmem:$0x0];
	_ =	sdelay $0x4  }
0x47: {  	vm0 =	vgt.s32 v0, $0x0  }
0x48: {  	v0 =	vnsel vm0, $0x0, v0  }
0x49: {  	v0 =	vmin.u32 v0, $0xD7  }
0x4a: {  	v0 =	vmul.u32 $0x3, v0;
	_ =	sdelay $0x5  }
0x4b: {  	v1 =	vld.idx.msk [tilespmem:v0+s7+$0x0], $0xffff  }
0x4c: {  	v2 =	vadd.s32 $0x1, v0;
	_ =	sdelay $0x2  }
0x4d: {  	v3 =	vld [tilespmem:$0x10]  }
0x4e: {  	[tilespmem:$0x400] =	vst v1  }
0x4f: {  	v1 =	vld.idx.msk [tilespmem:v2+s7+$0x0], $0xffff  }
0x50: {  	v0 =	vadd.s32 $0x2, v0;
	_ =	sdelay $0x1  }
0x51: {  	vm7 =	vgt.s32 v3, $0x0  }
0x52: {  	v2 =	vnsel vm7, $0x0, v3  }
0x53: {  	[tilespmem:$0x500] =	vst v1;
	v1 =	vmin.u32 v2, $0xD7  }
0x54: {  	v0 =	vld.idx.msk [tilespmem:v0+s7+$0x0], $0xffff;
	v1 =	vmul.u32 $0x3, v1;
	_ =	sdelay $0x4  }
0x55: {  	[tilespmem:$0x600] =	vst v0  }
0x56: {  	v0 =	vld.idx.msk [tilespmem:v1+s7+$0x0], $0xffff  }
0x57: {  	v2 =	vadd.s32 $0x1, v1;
	_ =	sdelay $0x2  }
0x58: {  	v3 =	vld [tilespmem:$0x20]  }
0x59: {  	[tilespmem:$0x410] =	vst v0  }
0x5a: {  	v0 =	vld.idx.msk [tilespmem:v2+s7+$0x0], $0xffff  }
0x5b: {  	v1 =	vadd.s32 $0x2, v1;
	_ =	sdelay $0x1  }
0x5c: {  	vm8 =	vgt.s32 v3, $0x0  }
0x5d: {  	v2 =	vnsel vm8, $0x0, v3  }
0x5e: {  	[tilespmem:$0x510] =	vst v0;
	v0 =	vmin.u32 v2, $0xD7  }
0x5f: {  	v1 =	vld.idx.msk [tilespmem:v1+s7+$0x0], $0xffff;
	v0 =	vmul.u32 $0x3, v0;
	_ =	sdelay $0x4  }
0x60: {  	[tilespmem:$0x610] =	vst v1  }
0x61: {  	v1 =	vld.idx.msk [tilespmem:v0+s7+$0x0], $0xffff  }
0x62: {  	v2 =	vadd.s32 $0x1, v0;
	_ =	sdelay $0x2  }
0x63: {  	v3 =	vld [tilespmem:$0x30]  }
0x64: {  	[tilespmem:$0x420] =	vst v1  }
0x65: {  	v1 =	vld.idx.msk [tilespmem:v2+s7+$0x0], $0xffff  }
0x66: {  	v0 =	vadd.s32 $0x2, v0;
	_ =	sdelay $0x1  }
0x67: {  	vm9 =	vgt.s32 v3, $0x0  }
0x68: {  	v2 =	vnsel vm9, $0x0, v3  }
0x69: {  	[tilespmem:$0x520] =	vst v1;
	v1 =	vmin.u32 v2, $0xD7  }
0x6a: {  	v0 =	vld.idx.msk [tilespmem:v0+s7+$0x0], $0xffff;
	v1 =	vmul.u32 $0x3, v1;
	_ =	sdelay $0x4  }
0x6b: {  	[tilespmem:$0x620] =	vst v0  }
0x6c: {  	v0 =	vld.idx.msk [tilespmem:v1+s7+$0x0], $0xffff  }
0x6d: {  	v2 =	vadd.s32 $0x1, v1;
	_ =	sdelay $0x2  }
0x6e: {  	v3 =	vld [tilespmem:$0x40]  }
0x6f: {  	[tilespmem:$0x430] =	vst v0  }
0x70: {  	v0 =	vld.idx.msk [tilespmem:v2+s7+$0x0], $0xffff  }
0x71: {  	v1 =	vadd.s32 $0x2, v1;
	_ =	sdelay $0x1  }
0x72: {  	vm10 =	vgt.s32 v3, $0x0  }
0x73: {  	v2 =	vnsel vm10, $0x0, v3  }
0x74: {  	[tilespmem:$0x530] =	vst v0;
	v0 =	vmin.u32 v2, $0xD7  }
0x75: {  	v1 =	vld.idx.msk [tilespmem:v1+s7+$0x0], $0xffff;
	v0 =	vmul.u32 $0x3, v0;
	_ =	sdelay $0x4  }
0x76: {  	[tilespmem:$0x630] =	vst v1  }
0x77: {  	v1 =	vld.idx.msk [tilespmem:v0+s7+$0x0], $0xffff  }
0x78: {  	v2 =	vadd.s32 $0x1, v0;
	_ =	sdelay $0x2  }
0x79: {  	v3 =	vld [tilespmem:$0x50]  }
0x7a: {  	[tilespmem:$0x440] =	vst v1  }
0x7b: {  	v1 =	vld.idx.msk [tilespmem:v2+s7+$0x0], $0xffff  }
0x7c: {  	v0 =	vadd.s32 $0x2, v0;
	_ =	sdelay $0x1  }
0x7d: {  	vm11 =	vgt.s32 v3, $0x0  }
0x7e: {  	v2 =	vnsel vm11, $0x0, v3  }
0x7f: {  	[tilespmem:$0x540] =	vst v1;
	v1 =	vmin.u32 v2, $0xD7  }
0x80: {  	v0 =	vld.idx.msk [tilespmem:v0+s7+$0x0], $0xffff;
	v1 =	vmul.u32 $0x3, v1;
	_ =	sdelay $0x4  }
0x81: {  	[tilespmem:$0x640] =	vst v0  }
0x82: {  	v0 =	vld.idx.msk [tilespmem:v1+s7+$0x0], $0xffff  }
0x83: {  	v2 =	vadd.s32 $0x1, v1;
	_ =	sdelay $0x2  }
0x84: {  	v3 =	vld [tilespmem:$0x60]  }
0x85: {  	[tilespmem:$0x450] =	vst v0  }
0x86: {  	v0 =	vld.idx.msk [tilespmem:v2+s7+$0x0], $0xffff  }
0x87: {  	v1 =	vadd.s32 $0x2, v1;
	_ =	sdelay $0x1  }
0x88: {  	vm12 =	vgt.s32 v3, $0x0  }
0x89: {  	v2 =	vnsel vm12, $0x0, v3  }
0x8a: {  	[tilespmem:$0x550] =	vst v0;
	v0 =	vmin.u32 v2, $0xD7  }
0x8b: {  	v1 =	vld.idx.msk [tilespmem:v1+s7+$0x0], $0xffff;
	v0 =	vmul.u32 $0x3, v0;
	_ =	sdelay $0x4  }
0x8c: {  	[tilespmem:$0x650] =	vst v1  }
0x8d: {  	v1 =	vld.idx.msk [tilespmem:v0+s7+$0x0], $0xffff  }
0x8e: {  	v2 =	vadd.s32 $0x1, v0;
	_ =	sdelay $0x2  }
0x8f: {  	v3 =	vld [tilespmem:$0x70]  }
0x90: {  	[tilespmem:$0x460] =	vst v1  }
0x91: {  	v1 =	vld.idx.msk [tilespmem:v2+s7+$0x0], $0xffff  }
0x92: {  	v0 =	vadd.s32 $0x2, v0;
	_ =	sdelay $0x1  }
0x93: {  	vm13 =	vgt.s32 v3, $0x0  }
0x94: {  	v2 =	vnsel vm13, $0x0, v3  }
0x95: {  	[tilespmem:$0x560] =	vst v1;
	v1 =	vmin.u32 v2, $0xD7  }
0x96: {  	v0 =	vld.idx.msk [tilespmem:v0+s7+$0x0], $0xffff;
	v1 =	vmul.u32 $0x3, v1;
	_ =	sdelay $0x4  }
0x97: {  	[tilespmem:$0x660] =	vst v0  }
0x98: {  	v0 =	vld.idx.msk [tilespmem:v1+s7+$0x0], $0xffff  }
0x99: {  	v2 =	vadd.s32 $0x1, v1;
	_ =	sdelay $0x2  }
0x9a: {  	v3 =	vld [tilespmem:$0x80]  }
0x9b: {  	[tilespmem:$0x470] =	vst v0  }
0x9c: {  	v0 =	vld.idx.msk [tilespmem:v2+s7+$0x0], $0xffff  }
0x9d: {  	v1 =	vadd.s32 $0x2, v1;
	_ =	sdelay $0x1  }
0x9e: {  	vm14 =	vgt.s32 v3, $0x0  }
0x9f: {  	v2 =	vnsel vm14, $0x0, v3  }
0xa0: {  	[tilespmem:$0x570] =	vst v0;
	v0 =	vmin.u32 v2, $0xD7  }
0xa1: {  	v1 =	vld.idx.msk [tilespmem:v1+s7+$0x0], $0xffff;
	v0 =	vmul.u32 $0x3, v0;
	_ =	sdelay $0x4  }
0xa2: {  	[tilespmem:$0x670] =	vst v1  }
0xa3: {  	v1 =	vld.idx.msk [tilespmem:v0+s7+$0x0], $0xffff  }
0xa4: {  	v2 =	vadd.s32 $0x1, v0;
	_ =	sdelay $0x2  }
0xa5: {  	v3 =	vld [tilespmem:$0x90]  }
0xa6: {  	[tilespmem:$0x480] =	vst v1  }
0xa7: {  	v1 =	vld.idx.msk [tilespmem:v2+s7+$0x0], $0xffff  }
0xa8: {  	v0 =	vadd.s32 $0x2, v0;
	_ =	sdelay $0x1  }
0xa9: {  	vm15 =	vgt.s32 v3, $0x0  }
0xaa: {  	v2 =	vnsel vm15, $0x0, v3  }
0xab: {  	[tilespmem:$0x580] =	vst v1;
	v1 =	vmin.u32 v2, $0xD7  }
0xac: {  	v0 =	vld.idx.msk [tilespmem:v0+s7+$0x0], $0xffff;
	v1 =	vmul.u32 $0x3, v1;
	_ =	sdelay $0x4  }
0xad: {  	[tilespmem:$0x680] =	vst v0  }
0xae: {  	v0 =	vld.idx.msk [tilespmem:v1+s7+$0x0], $0xffff  }
0xaf: {  	v2 =	vadd.s32 $0x1, v1;
	_ =	sdelay $0x3  }
0xb0: {  	[tilespmem:$0x490] =	vst v0  }
0xb1: {  	v0 =	vld.idx.msk [tilespmem:v2+s7+$0x0], $0xffff  }
0xb2: {  	v1 =	vadd.s32 $0x2, v1;
	_ =	sdelay $0x3  }
0xb3: {  	[tilespmem:$0x590] =	vst v0  }
0xb4: {  	v0 =	vld.idx.msk [tilespmem:v1+s7+$0x0], $0xffff;
	_ =	sdelay $0x4  }
0xb5: {  	s26 =	rddreg [dreg:$0x6];
	[tilespmem:$0x690] =	vst v0  }
0xb6: {  	[tilespmem:s8], [sflag:$0x2] =	stream.linear.gather [hbm4b:s26+s9], $0x2000, $0x38;
	[tilespmem:$0x10700] =	vst v63  }
0xb7: {  	_ =	swait.ge [sflag:s10], $0x2000  }
0xb8: {  	[sflag:s10] =	ssyncset.done $0x0  }
0xb9: {  	s25 =	simm.s32 $0x720;
	[sflag:s10] =	ssyncadd.s32 $0xFFFFE000  }
0xba: {  	v4 =	vld [tilespmem:s25+$0x10];
	_ =	sdelay $0x1  }
0xbb: {  	v7 =	vld [tilespmem:s25+$0xFFFFFFE0]  }
0xbc: {  	v6 =	vld [tilespmem:s25+$0xFFFFFFF0]  }
0xbd: {  	v9 =	vld [tilespmem:s25+$0x0];
	_ =	sdelay $0x1  }
0xbe: {  	s26 =	simm.s32 $0x760  }
0xbf: {  	v2 =	vld [tilespmem:s26+$0x10]  }
0xc0: {  	v0 =	vld.idx.msk [tilespmem:v4+s11+$0x0], $0xffff  }
0xc1: {  	v1 =	vld [tilespmem:s26+$0xFFFFFFF0]  }
0xc2: {  	v3 =	vld.idx.msk [tilespmem:v7+s11+$0x0], $0xffff  }
0xc3: {  	v5 =	vld.idx.msk [tilespmem:v6+s11+$0x0], $0xffff  }
0xc4: {  	s25 =	simm.s32 $0x4720;
	v8 =	vld.idx.msk [tilespmem:v9+s11+$0x0], $0xffff  }
0xc5: {  	[tilespmem:s25+$0x10] =	vst v0;
	v0 =	vld [tilespmem:s26+$0x0]  }
0xc6: {  	v10 =	vld.idx.msk [tilespmem:v4+s12+$0x0], $0xffff  }
0xc7: {  	[tilespmem:s25+$0xFFFFFFE0] =	vst v3;
	v3 =	vld [tilespmem:s26+$0xFFFFFFE0]  }
0xc8: {  	v11 =	vld.idx.msk [tilespmem:v7+s12+$0x0], $0xffff  }
0xc9: {  	v13 =	vld.idx.msk [tilespmem:v2+s11+$0x0], $0xffff;
	[tilespmem:s25+$0xFFFFFFF0] =	vst v5  }
0xca: {  	s24 =	simm.s32 $0x6720;
	[tilespmem:s25+$0x0] =	vst v8;
	v12 =	vld.idx.msk [tilespmem:v6+s12+$0x0], $0xffff  }
0xcb: {  	[tilespmem:s24+$0x10] =	vst v10;
	v10 =	vld.idx.msk [tilespmem:v9+s12+$0x0], $0xffff  }
0xcc: {  	v4 =	vld.idx.msk [tilespmem:v4+s13+$0x0], $0xffff  }
0xcd: {  	v14 =	vld.idx.msk [tilespmem:v1+s11+$0x0], $0xffff;
	[tilespmem:s24+$0xFFFFFFE0] =	vst v11  }
0xce: {  	v7 =	vld.idx.msk [tilespmem:v7+s13+$0x0], $0xffff  }
0xcf: {  	[tilespmem:s24+$0xFFFFFFF0] =	vst v12;
	v5 =	vld.idx.msk [tilespmem:v0+s11+$0x0], $0xffff  }
0xd0: {  	s25 =	simm.s32 $0x8720;
	v8 =	vld.idx.msk [tilespmem:v3+s11+$0x0], $0xffff;
	[tilespmem:s24+$0x0] =	vst v10  }
0xd1: {  	s26 =	simm.s32 $0x4760;
	[tilespmem:s25+$0x10] =	vst v4;
	v4 =	vld.idx.msk [tilespmem:v6+s13+$0x0], $0xffff  }
0xd2: {  	[tilespmem:s26+$0x10] =	vst v13;
	v6 =	vld.idx.msk [tilespmem:v9+s13+$0x0], $0xffff  }
0xd3: {  	s28 =	simm.s32 $0x4;
	s29 =	simm.s32 $0x7A0;
	[tilespmem:s26+$0xFFFFFFF0] =	vst v14;
	v9 =	vld.idx.msk [tilespmem:v2+s12+$0x0], $0xffff  }
.LBB2_2:
0xd4: {  	v10 =	vld [tilespmem:s29+$0x10];
	s28 =	sadd.s32 $0x4, s28;
	[tilespmem:s26+$0x0] =	vst v5  }
0xd5: {  	v11 =	vld [tilespmem:s29+$0xFFFFFFF0];
	p0 =	slt.u32 s28, $0x1FC;
	[tilespmem:s26+$0xFFFFFFE0] =	vst v8  }
0xd6: {  	v12 =	vld [tilespmem:s29+$0x0];
	[tilespmem:s25+$0xFFFFFFE0] =	vst v7  }
0xd7: {  	v13 =	vld [tilespmem:s29+$0xFFFFFFE0];
	[tilespmem:s25+$0xFFFFFFF0] =	vst v4  }
0xd8: {  	s24 =	sadd.s32 $0x40, s24;
	v4 =	vld.idx.msk [tilespmem:v3+s12+$0x0], $0xffff;
	[tilespmem:s25+$0x0] =	vst v6  }
0xd9: {  	v6 =	vld.idx.msk [tilespmem:v1+s12+$0x0], $0xffff;
	[tilespmem:s24+$0x10] =	vst v9  }
0xda: {  	v9 =	vld.idx.msk [tilespmem:v2+s13+$0x0], $0xffff;
	v2 =	vmov v10  }
0xdb: {  	v14 =	vld.idx.msk [tilespmem:v0+s12+$0x0], $0xffff  }
0xdc: {  	v10 =	vld.idx.msk [tilespmem:v10+s11+$0x0], $0xffff  }
0xdd: {  	v15 =	vld.idx.msk [tilespmem:v11+s11+$0x0], $0xffff  }
0xde: {  	v5 =	vld.idx.msk [tilespmem:v12+s11+$0x0], $0xffff;
	[tilespmem:s24+$0xFFFFFFE0] =	vst v4  }
.Ltmp0:
0xdf: {  	s25 =	sadd.s32 $0x40, s25;
	v8 =	vld.idx.msk [tilespmem:v13+s11+$0x0], $0xffff;
	[tilespmem:s24+$0xFFFFFFF0] =	vst v6;
	(pc) =	sbr.rel @p0 .LBB2_2-.Ltmp0, $4  }
0xe0: {  	v7 =	vld.idx.msk [tilespmem:v3+s13+$0x0], $0xffff;
	[tilespmem:s25+$0x10] =	vst v9;
	v3 =	vmov v13  }
0xe1: {  	s26 =	sadd.s32 $0x40, s26;
	v4 =	vld.idx.msk [tilespmem:v1+s13+$0x0], $0xffff;
	[tilespmem:s24+$0x0] =	vst v14;
	v1 =	vmov v11  }
0xe2: {  	[tilespmem:s26+$0x10] =	vst v10;
	v6 =	vld.idx.msk [tilespmem:v0+s13+$0x0], $0xffff;
	v0 =	vmov v12  }
0xe3: {  	s29 =	sadd.s32 $0x40, s29;
	[tilespmem:s26+$0xFFFFFFF0] =	vst v15;
	v9 =	vld.idx.msk [tilespmem:v2+s12+$0x0], $0xffff  }
0xe4: {  	_ =	sdelay $0x2  }
0xe5: {  	[tilespmem:s26+$0xFFFFFFE0] =	vst v8  }
0xe6: {  	[tilespmem:s26+$0x0] =	vst v5;
	v5 =	vld.idx.msk [tilespmem:v1+s12+$0x0], $0xffff  }
0xe7: {  	v8 =	vld.idx.msk [tilespmem:v3+s12+$0x0], $0xffff  }
0xe8: {  	v10 =	vld.idx.msk [tilespmem:v0+s12+$0x0], $0xffff  }
0xe9: {  	s24 =	sadd.s32 $0x40, s24;
	[tilespmem:s25+$0xFFFFFFE0] =	vst v7  }
0xea: {  	[tilespmem:s24+$0x10] =	vst v9  }
0xeb: {  	v2 =	vld.idx.msk [tilespmem:v2+s13+$0x0], $0xffff;
	[tilespmem:s24+$0xFFFFFFF0] =	vst v5  }
0xec: {  	[tilespmem:s24+$0xFFFFFFE0] =	vst v8;
	v1 =	vld.idx.msk [tilespmem:v1+s13+$0x0], $0xffff  }
0xed: {  	[tilespmem:s24+$0x0] =	vst v10;
	v3 =	vld.idx.msk [tilespmem:v3+s13+$0x0], $0xffff  }
0xee: {  	[tilespmem:s25+$0xFFFFFFF0] =	vst v4;
	v0 =	vld.idx.msk [tilespmem:v0+s13+$0x0], $0xffff  }
0xef: {  	[tilespmem:s25+$0x0] =	vst v6;
	s25 =	sadd.s32 $0x40, s25  }
0xf0: {  	[tilespmem:s25+$0x10] =	vst v2  }
0xf1: {  	[tilespmem:s25+$0xFFFFFFF0] =	vst v1  }
0xf2: {  	[tilespmem:s25+$0xFFFFFFE0] =	vst v3  }
0xf3: {  	[tilespmem:s25+$0x0] =	vst v0  }
0xf4: {  	s24 =	rddreg [dreg:$0xd]  }
0xf5: {  	[hbm4b:s24+s9] =	stream.linear.scatter [tilespmem:s14], [sflag:$0x3], $0x2000, $0x38;
	[tilespmem:$0x10700] =	vst v63  }
0xf6: {  	s26 =	rddreg [dreg:$0xe]  }
0xf7: {  	[hbm4b:s26+s9] =	stream.linear.scatter [tilespmem:s15], [sflag:$0x3], $0x2000, $0x38;
	[tilespmem:$0x10700] =	vst v63  }
0xf8: {  	s25 =	rddreg [dreg:$0xf]  }
0xf9: {  	[hbm4b:s25+s9] =	stream.linear.scatter [tilespmem:s16], [sflag:$0x3], $0x2000, $0x38;
	[tilespmem:$0x10700] =	vst v63  }
0xfa: {  	s26 =	rddreg [dreg:$0x7]  }
0xfb: {  	[tilespmem:s5], [sflag:$0x1] =	stream.linear.gather [hbm4b:s26+s9], $0x2000, $0x38;
	[tilespmem:$0x10700] =	vst v63  }
0xfc: {  	_ =	swait.ge [sflag:s17], $0x2000  }
0xfd: {  	[sflag:s17] =	ssyncset.done $0x0  }
0xfe: {  	s25 =	simm.s32 $0x2720;
	[sflag:s17] =	ssyncadd.s32 $0xFFFFE000  }
0xff: {  	v4 =	vld [tilespmem:s25+$0x10];
	_ =	sdelay $0x1  }
0x100: {  	v7 =	vld [tilespmem:s25+$0xFFFFFFE0]  }
0x101: {  	v6 =	vld [tilespmem:s25+$0xFFFFFFF0]  }
0x102: {  	v9 =	vld [tilespmem:s25+$0x0];
	_ =	sdelay $0x1  }
0x103: {  	s26 =	simm.s32 $0x2760  }
0x104: {  	v2 =	vld [tilespmem:s26+$0x10]  }
0x105: {  	v0 =	vld.idx.msk [tilespmem:v4+s11+$0x0], $0xffff  }
0x106: {  	v1 =	vld [tilespmem:s26+$0xFFFFFFF0]  }
0x107: {  	v3 =	vld.idx.msk [tilespmem:v7+s11+$0x0], $0xffff  }
0x108: {  	v5 =	vld.idx.msk [tilespmem:v6+s11+$0x0], $0xffff  }
0x109: {  	s25 =	simm.s32 $0xA720;
	v8 =	vld.idx.msk [tilespmem:v9+s11+$0x0], $0xffff  }
0x10a: {  	[tilespmem:s25+$0x10] =	vst v0;
	v0 =	vld [tilespmem:s26+$0x0]  }
0x10b: {  	v10 =	vld.idx.msk [tilespmem:v4+s12+$0x0], $0xffff  }
0x10c: {  	[tilespmem:s25+$0xFFFFFFE0] =	vst v3;
	v3 =	vld [tilespmem:s26+$0xFFFFFFE0]  }
0x10d: {  	v11 =	vld.idx.msk [tilespmem:v7+s12+$0x0], $0xffff  }
0x10e: {  	v13 =	vld.idx.msk [tilespmem:v2+s11+$0x0], $0xffff;
	[tilespmem:s25+$0xFFFFFFF0] =	vst v5  }
0x10f: {  	s24 =	simm.s32 $0xC720;
	[tilespmem:s25+$0x0] =	vst v8;
	v12 =	vld.idx.msk [tilespmem:v6+s12+$0x0], $0xffff  }
0x110: {  	[tilespmem:s24+$0x10] =	vst v10;
	v10 =	vld.idx.msk [tilespmem:v9+s12+$0x0], $0xffff  }
0x111: {  	v4 =	vld.idx.msk [tilespmem:v4+s13+$0x0], $0xffff  }
0x112: {  	v14 =	vld.idx.msk [tilespmem:v1+s11+$0x0], $0xffff;
	[tilespmem:s24+$0xFFFFFFE0] =	vst v11  }
0x113: {  	v7 =	vld.idx.msk [tilespmem:v7+s13+$0x0], $0xffff  }
0x114: {  	[tilespmem:s24+$0xFFFFFFF0] =	vst v12;
	v5 =	vld.idx.msk [tilespmem:v0+s11+$0x0], $0xffff  }
0x115: {  	s25 =	simm.s32 $0xE720;
	v8 =	vld.idx.msk [tilespmem:v3+s11+$0x0], $0xffff;
	[tilespmem:s24+$0x0] =	vst v10  }
0x116: {  	s26 =	simm.s32 $0xA760;
	[tilespmem:s25+$0x10] =	vst v4;
	v4 =	vld.idx.msk [tilespmem:v6+s13+$0x0], $0xffff  }
0x117: {  	[tilespmem:s26+$0x10] =	vst v13;
	v6 =	vld.idx.msk [tilespmem:v9+s13+$0x0], $0xffff  }
0x118: {  	s28 =	simm.s32 $0x4;
	s29 =	simm.s32 $0x27A0;
	[tilespmem:s26+$0xFFFFFFF0] =	vst v14;
	v9 =	vld.idx.msk [tilespmem:v2+s12+$0x0], $0xffff  }
.LBB2_4:
0x119: {  	v10 =	vld [tilespmem:s29+$0x10];
	s28 =	sadd.s32 $0x4, s28;
	[tilespmem:s26+$0x0] =	vst v5  }
0x11a: {  	v11 =	vld [tilespmem:s29+$0xFFFFFFF0];
	p0 =	slt.u32 s28, $0x1FC;
	[tilespmem:s26+$0xFFFFFFE0] =	vst v8  }
0x11b: {  	v12 =	vld [tilespmem:s29+$0x0];
	[tilespmem:s25+$0xFFFFFFE0] =	vst v7  }
0x11c: {  	v13 =	vld [tilespmem:s29+$0xFFFFFFE0];
	[tilespmem:s25+$0xFFFFFFF0] =	vst v4  }
0x11d: {  	s24 =	sadd.s32 $0x40, s24;
	v4 =	vld.idx.msk [tilespmem:v3+s12+$0x0], $0xffff;
	[tilespmem:s25+$0x0] =	vst v6  }
0x11e: {  	v6 =	vld.idx.msk [tilespmem:v1+s12+$0x0], $0xffff;
	[tilespmem:s24+$0x10] =	vst v9  }
0x11f: {  	v9 =	vld.idx.msk [tilespmem:v2+s13+$0x0], $0xffff;
	v2 =	vmov v10  }
0x120: {  	v14 =	vld.idx.msk [tilespmem:v0+s12+$0x0], $0xffff  }
0x121: {  	v10 =	vld.idx.msk [tilespmem:v10+s11+$0x0], $0xffff  }
0x122: {  	v15 =	vld.idx.msk [tilespmem:v11+s11+$0x0], $0xffff  }
0x123: {  	v5 =	vld.idx.msk [tilespmem:v12+s11+$0x0], $0xffff;
	[tilespmem:s24+$0xFFFFFFE0] =	vst v4  }
.Ltmp1:
0x124: {  	s25 =	sadd.s32 $0x40, s25;
	v8 =	vld.idx.msk [tilespmem:v13+s11+$0x0], $0xffff;
	[tilespmem:s24+$0xFFFFFFF0] =	vst v6;
	(pc) =	sbr.rel @p0 .LBB2_4-.Ltmp1, $4  }
0x125: {  	v7 =	vld.idx.msk [tilespmem:v3+s13+$0x0], $0xffff;
	[tilespmem:s25+$0x10] =	vst v9;
	v3 =	vmov v13  }
0x126: {  	s26 =	sadd.s32 $0x40, s26;
	v4 =	vld.idx.msk [tilespmem:v1+s13+$0x0], $0xffff;
	[tilespmem:s24+$0x0] =	vst v14;
	v1 =	vmov v11  }
0x127: {  	[tilespmem:s26+$0x10] =	vst v10;
	v6 =	vld.idx.msk [tilespmem:v0+s13+$0x0], $0xffff;
	v0 =	vmov v12  }
0x128: {  	s29 =	sadd.s32 $0x40, s29;
	[tilespmem:s26+$0xFFFFFFF0] =	vst v15;
	v9 =	vld.idx.msk [tilespmem:v2+s12+$0x0], $0xffff  }
0x129: {  	_ =	sdelay $0x2  }
0x12a: {  	[tilespmem:s26+$0xFFFFFFE0] =	vst v8  }
0x12b: {  	[tilespmem:s26+$0x0] =	vst v5;
	v5 =	vld.idx.msk [tilespmem:v1+s12+$0x0], $0xffff  }
0x12c: {  	v8 =	vld.idx.msk [tilespmem:v3+s12+$0x0], $0xffff  }
0x12d: {  	v10 =	vld.idx.msk [tilespmem:v0+s12+$0x0], $0xffff  }
0x12e: {  	s24 =	sadd.s32 $0x40, s24;
	[tilespmem:s25+$0xFFFFFFE0] =	vst v7  }
0x12f: {  	[tilespmem:s24+$0x10] =	vst v9  }
0x130: {  	v2 =	vld.idx.msk [tilespmem:v2+s13+$0x0], $0xffff;
	[tilespmem:s24+$0xFFFFFFF0] =	vst v5  }
0x131: {  	[tilespmem:s24+$0xFFFFFFE0] =	vst v8;
	v1 =	vld.idx.msk [tilespmem:v1+s13+$0x0], $0xffff  }
0x132: {  	[tilespmem:s24+$0x0] =	vst v10;
	v3 =	vld.idx.msk [tilespmem:v3+s13+$0x0], $0xffff  }
0x133: {  	[tilespmem:s25+$0xFFFFFFF0] =	vst v4;
	v0 =	vld.idx.msk [tilespmem:v0+s13+$0x0], $0xffff  }
0x134: {  	[tilespmem:s25+$0x0] =	vst v6;
	s25 =	sadd.s32 $0x40, s25  }
0x135: {  	[tilespmem:s25+$0x10] =	vst v2  }
0x136: {  	[tilespmem:s25+$0xFFFFFFF0] =	vst v1  }
0x137: {  	[tilespmem:s25+$0xFFFFFFE0] =	vst v3  }
0x138: {  	[tilespmem:s25+$0x0] =	vst v0  }
0x139: {  	s24 =	rddreg [dreg:$0x10]  }
0x13a: {  	[hbm4b:s24+s9] =	stream.linear.scatter [tilespmem:s18], [sflag:$0x4], $0x2000, $0x38;
	[tilespmem:$0x10700] =	vst v63  }
0x13b: {  	s26 =	rddreg [dreg:$0x11]  }
0x13c: {  	[hbm4b:s26+s9] =	stream.linear.scatter [tilespmem:s19], [sflag:$0x4], $0x2000, $0x38;
	[tilespmem:$0x10700] =	vst v63  }
0x13d: {  	s25 =	rddreg [dreg:$0x12]  }
0x13e: {  	[hbm4b:s25+s9] =	stream.linear.scatter [tilespmem:s20], [sflag:$0x4], $0x2000, $0x38;
	[tilespmem:$0x10700] =	vst v63  }
0x13f: {  	s26 =	rddreg [dreg:$0x8]  }
0x140: {  	[tilespmem:s8], [sflag:$0x2] =	stream.linear.gather [hbm4b:s26+s9], $0x2000, $0x38;
	[tilespmem:$0x10700] =	vst v63  }
0x141: {  	_ =	swait.ge [sflag:s10], $0x2000  }
0x142: {  	[sflag:s10] =	ssyncset.done $0x0  }
0x143: {  	[sflag:s10] =	ssyncadd.s32 $0xFFFFE000  }
0x144: {  	_ =	swait.ge [sflag:s21], $0x2000  }
0x145: {  	[sflag:s21] =	ssyncset.done $0x0  }
0x146: {  	[sflag:s21] =	ssyncadd.s32 $0xFFFFE000  }
0x147: {  	_ =	swait.ge [sflag:s21], $0x2000  }
0x148: {  	[sflag:s21] =	ssyncset.done $0x0  }
0x149: {  	[sflag:s21] =	ssyncadd.s32 $0xFFFFE000  }
0x14a: {  	_ =	swait.ge [sflag:s21], $0x2000  }
0x14b: {  	[sflag:s21] =	ssyncset.done $0x0  }
0x14c: {  	s25 =	simm.s32 $0x720;
	[sflag:s21] =	ssyncadd.s32 $0xFFFFE000  }
0x14d: {  	v4 =	vld [tilespmem:s25+$0x10];
	_ =	sdelay $0x1  }
0x14e: {  	v7 =	vld [tilespmem:s25+$0xFFFFFFE0]  }
0x14f: {  	v6 =	vld [tilespmem:s25+$0xFFFFFFF0]  }
0x150: {  	v9 =	vld [tilespmem:s25+$0x0];
	_ =	sdelay $0x1  }
0x151: {  	s26 =	simm.s32 $0x760  }
0x152: {  	v2 =	vld [tilespmem:s26+$0x10]  }
0x153: {  	v0 =	vld.idx.msk [tilespmem:v4+s11+$0x0], $0xffff  }
0x154: {  	v1 =	vld [tilespmem:s26+$0xFFFFFFF0]  }
0x155: {  	v3 =	vld.idx.msk [tilespmem:v7+s11+$0x0], $0xffff  }
0x156: {  	v5 =	vld.idx.msk [tilespmem:v6+s11+$0x0], $0xffff  }
0x157: {  	s25 =	simm.s32 $0x4720;
	v8 =	vld.idx.msk [tilespmem:v9+s11+$0x0], $0xffff  }
0x158: {  	[tilespmem:s25+$0x10] =	vst v0;
	v0 =	vld [tilespmem:s26+$0x0]  }
0x159: {  	v10 =	vld.idx.msk [tilespmem:v4+s12+$0x0], $0xffff  }
0x15a: {  	[tilespmem:s25+$0xFFFFFFE0] =	vst v3;
	v3 =	vld [tilespmem:s26+$0xFFFFFFE0]  }
0x15b: {  	v11 =	vld.idx.msk [tilespmem:v7+s12+$0x0], $0xffff  }
0x15c: {  	v13 =	vld.idx.msk [tilespmem:v2+s11+$0x0], $0xffff;
	[tilespmem:s25+$0xFFFFFFF0] =	vst v5  }
0x15d: {  	s24 =	simm.s32 $0x6720;
	[tilespmem:s25+$0x0] =	vst v8;
	v12 =	vld.idx.msk [tilespmem:v6+s12+$0x0], $0xffff  }
0x15e: {  	[tilespmem:s24+$0x10] =	vst v10;
	v10 =	vld.idx.msk [tilespmem:v9+s12+$0x0], $0xffff  }
0x15f: {  	v4 =	vld.idx.msk [tilespmem:v4+s13+$0x0], $0xffff  }
0x160: {  	v14 =	vld.idx.msk [tilespmem:v1+s11+$0x0], $0xffff;
	[tilespmem:s24+$0xFFFFFFE0] =	vst v11  }
0x161: {  	v7 =	vld.idx.msk [tilespmem:v7+s13+$0x0], $0xffff  }
0x162: {  	[tilespmem:s24+$0xFFFFFFF0] =	vst v12;
	v5 =	vld.idx.msk [tilespmem:v0+s11+$0x0], $0xffff  }
0x163: {  	s25 =	simm.s32 $0x8720;
	v8 =	vld.idx.msk [tilespmem:v3+s11+$0x0], $0xffff;
	[tilespmem:s24+$0x0] =	vst v10  }
0x164: {  	s26 =	simm.s32 $0x4760;
	[tilespmem:s25+$0x10] =	vst v4;
	v4 =	vld.idx.msk [tilespmem:v6+s13+$0x0], $0xffff  }
0x165: {  	[tilespmem:s26+$0x10] =	vst v13;
	v6 =	vld.idx.msk [tilespmem:v9+s13+$0x0], $0xffff  }
0x166: {  	s28 =	simm.s32 $0x4;
	s29 =	simm.s32 $0x7A0;
	[tilespmem:s26+$0xFFFFFFF0] =	vst v14;
	v9 =	vld.idx.msk [tilespmem:v2+s12+$0x0], $0xffff  }
.LBB2_6:
0x167: {  	v10 =	vld [tilespmem:s29+$0x10];
	s28 =	sadd.s32 $0x4, s28;
	[tilespmem:s26+$0x0] =	vst v5  }
0x168: {  	v11 =	vld [tilespmem:s29+$0xFFFFFFF0];
	p0 =	slt.u32 s28, $0x1FC;
	[tilespmem:s26+$0xFFFFFFE0] =	vst v8  }
0x169: {  	v12 =	vld [tilespmem:s29+$0x0];
	[tilespmem:s25+$0xFFFFFFE0] =	vst v7  }
0x16a: {  	v13 =	vld [tilespmem:s29+$0xFFFFFFE0];
	[tilespmem:s25+$0xFFFFFFF0] =	vst v4  }
0x16b: {  	s24 =	sadd.s32 $0x40, s24;
	v4 =	vld.idx.msk [tilespmem:v3+s12+$0x0], $0xffff;
	[tilespmem:s25+$0x0] =	vst v6  }
0x16c: {  	v6 =	vld.idx.msk [tilespmem:v1+s12+$0x0], $0xffff;
	[tilespmem:s24+$0x10] =	vst v9  }
0x16d: {  	v9 =	vld.idx.msk [tilespmem:v2+s13+$0x0], $0xffff;
	v2 =	vmov v10  }
0x16e: {  	v14 =	vld.idx.msk [tilespmem:v0+s12+$0x0], $0xffff  }
0x16f: {  	v10 =	vld.idx.msk [tilespmem:v10+s11+$0x0], $0xffff  }
0x170: {  	v15 =	vld.idx.msk [tilespmem:v11+s11+$0x0], $0xffff  }
0x171: {  	v5 =	vld.idx.msk [tilespmem:v12+s11+$0x0], $0xffff;
	[tilespmem:s24+$0xFFFFFFE0] =	vst v4  }
.Ltmp2:
0x172: {  	s25 =	sadd.s32 $0x40, s25;
	v8 =	vld.idx.msk [tilespmem:v13+s11+$0x0], $0xffff;
	[tilespmem:s24+$0xFFFFFFF0] =	vst v6;
	(pc) =	sbr.rel @p0 .LBB2_6-.Ltmp2, $4  }
0x173: {  	v7 =	vld.idx.msk [tilespmem:v3+s13+$0x0], $0xffff;
	[tilespmem:s25+$0x10] =	vst v9;
	v3 =	vmov v13  }
0x174: {  	s26 =	sadd.s32 $0x40, s26;
	v4 =	vld.idx.msk [tilespmem:v1+s13+$0x0], $0xffff;
	[tilespmem:s24+$0x0] =	vst v14;
	v1 =	vmov v11  }
0x175: {  	[tilespmem:s26+$0x10] =	vst v10;
	v6 =	vld.idx.msk [tilespmem:v0+s13+$0x0], $0xffff;
	v0 =	vmov v12  }
0x176: {  	s29 =	sadd.s32 $0x40, s29;
	[tilespmem:s26+$0xFFFFFFF0] =	vst v15;
	v9 =	vld.idx.msk [tilespmem:v2+s12+$0x0], $0xffff  }
0x177: {  	_ =	sdelay $0x2  }
0x178: {  	[tilespmem:s26+$0xFFFFFFE0] =	vst v8  }
0x179: {  	[tilespmem:s26+$0x0] =	vst v5;
	v5 =	vld.idx.msk [tilespmem:v1+s12+$0x0], $0xffff  }
0x17a: {  	v8 =	vld.idx.msk [tilespmem:v3+s12+$0x0], $0xffff  }
0x17b: {  	v10 =	vld.idx.msk [tilespmem:v0+s12+$0x0], $0xffff  }
0x17c: {  	s24 =	sadd.s32 $0x40, s24;
	[tilespmem:s25+$0xFFFFFFE0] =	vst v7  }
0x17d: {  	[tilespmem:s24+$0x10] =	vst v9  }
0x17e: {  	v2 =	vld.idx.msk [tilespmem:v2+s13+$0x0], $0xffff;
	[tilespmem:s24+$0xFFFFFFF0] =	vst v5  }
0x17f: {  	[tilespmem:s24+$0xFFFFFFE0] =	vst v8;
	v1 =	vld.idx.msk [tilespmem:v1+s13+$0x0], $0xffff  }
0x180: {  	[tilespmem:s24+$0x0] =	vst v10;
	v3 =	vld.idx.msk [tilespmem:v3+s13+$0x0], $0xffff  }
0x181: {  	[tilespmem:s25+$0xFFFFFFF0] =	vst v4;
	v0 =	vld.idx.msk [tilespmem:v0+s13+$0x0], $0xffff  }
0x182: {  	[tilespmem:s25+$0x0] =	vst v6;
	s25 =	sadd.s32 $0x40, s25  }
0x183: {  	[tilespmem:s25+$0x10] =	vst v2  }
0x184: {  	[tilespmem:s25+$0xFFFFFFF0] =	vst v1  }
0x185: {  	[tilespmem:s25+$0xFFFFFFE0] =	vst v3  }
0x186: {  	[tilespmem:s25+$0x0] =	vst v0  }
0x187: {  	s24 =	rddreg [dreg:$0x13]  }
0x188: {  	[hbm4b:s24+s9] =	stream.linear.scatter [tilespmem:s14], [sflag:$0x3], $0x2000, $0x38;
	[tilespmem:$0x10700] =	vst v63  }
0x189: {  	s26 =	rddreg [dreg:$0x14]  }
0x18a: {  	[hbm4b:s26+s9] =	stream.linear.scatter [tilespmem:s15], [sflag:$0x3], $0x2000, $0x38;
	[tilespmem:$0x10700] =	vst v63  }
0x18b: {  	s25 =	rddreg [dreg:$0x15]  }
0x18c: {  	[hbm4b:s25+s9] =	stream.linear.scatter [tilespmem:s16], [sflag:$0x3], $0x2000, $0x38;
	[tilespmem:$0x10700] =	vst v63  }
0x18d: {  	s26 =	rddreg [dreg:$0x9]  }
0x18e: {  	[tilespmem:s5], [sflag:$0x1] =	stream.linear.gather [hbm4b:s26+s9], $0x2000, $0x38;
	[tilespmem:$0x10700] =	vst v63  }
0x18f: {  	_ =	swait.ge [sflag:s17], $0x2000  }
0x190: {  	[sflag:s17] =	ssyncset.done $0x0  }
0x191: {  	[sflag:s17] =	ssyncadd.s32 $0xFFFFE000  }
0x192: {  	_ =	swait.ge [sflag:s22], $0x2000  }
0x193: {  	[sflag:s22] =	ssyncset.done $0x0  }
0x194: {  	[sflag:s22] =	ssyncadd.s32 $0xFFFFE000  }
0x195: {  	_ =	swait.ge [sflag:s22], $0x2000  }
0x196: {  	[sflag:s22] =	ssyncset.done $0x0  }
0x197: {  	[sflag:s22] =	ssyncadd.s32 $0xFFFFE000  }
0x198: {  	_ =	swait.ge [sflag:s22], $0x2000  }
0x199: {  	[sflag:s22] =	ssyncset.done $0x0  }
0x19a: {  	s25 =	simm.s32 $0x2720;
	[sflag:s22] =	ssyncadd.s32 $0xFFFFE000  }
0x19b: {  	v4 =	vld [tilespmem:s25+$0x10];
	_ =	sdelay $0x1  }
0x19c: {  	v7 =	vld [tilespmem:s25+$0xFFFFFFE0]  }
0x19d: {  	v6 =	vld [tilespmem:s25+$0xFFFFFFF0]  }
0x19e: {  	v9 =	vld [tilespmem:s25+$0x0];
	_ =	sdelay $0x1  }
0x19f: {  	s26 =	simm.s32 $0x2760  }
0x1a0: {  	v2 =	vld [tilespmem:s26+$0x10]  }
0x1a1: {  	v0 =	vld.idx.msk [tilespmem:v4+s11+$0x0], $0xffff  }
0x1a2: {  	v1 =	vld [tilespmem:s26+$0xFFFFFFF0]  }
0x1a3: {  	v3 =	vld.idx.msk [tilespmem:v7+s11+$0x0], $0xffff  }
0x1a4: {  	v5 =	vld.idx.msk [tilespmem:v6+s11+$0x0], $0xffff  }
0x1a5: {  	s25 =	simm.s32 $0xA720;
	v8 =	vld.idx.msk [tilespmem:v9+s11+$0x0], $0xffff  }
0x1a6: {  	[tilespmem:s25+$0x10] =	vst v0;
	v0 =	vld [tilespmem:s26+$0x0]  }
0x1a7: {  	v10 =	vld.idx.msk [tilespmem:v4+s12+$0x0], $0xffff  }
0x1a8: {  	[tilespmem:s25+$0xFFFFFFE0] =	vst v3;
	v3 =	vld [tilespmem:s26+$0xFFFFFFE0]  }
0x1a9: {  	v11 =	vld.idx.msk [tilespmem:v7+s12+$0x0], $0xffff  }
0x1aa: {  	v13 =	vld.idx.msk [tilespmem:v2+s11+$0x0], $0xffff;
	[tilespmem:s25+$0xFFFFFFF0] =	vst v5  }
0x1ab: {  	s24 =	simm.s32 $0xC720;
	[tilespmem:s25+$0x0] =	vst v8;
	v12 =	vld.idx.msk [tilespmem:v6+s12+$0x0], $0xffff  }
0x1ac: {  	[tilespmem:s24+$0x10] =	vst v10;
	v10 =	vld.idx.msk [tilespmem:v9+s12+$0x0], $0xffff  }
0x1ad: {  	v4 =	vld.idx.msk [tilespmem:v4+s13+$0x0], $0xffff  }
0x1ae: {  	v14 =	vld.idx.msk [tilespmem:v1+s11+$0x0], $0xffff;
	[tilespmem:s24+$0xFFFFFFE0] =	vst v11  }
0x1af: {  	v7 =	vld.idx.msk [tilespmem:v7+s13+$0x0], $0xffff  }
0x1b0: {  	[tilespmem:s24+$0xFFFFFFF0] =	vst v12;
	v5 =	vld.idx.msk [tilespmem:v0+s11+$0x0], $0xffff  }
0x1b1: {  	s25 =	simm.s32 $0xE720;
	v8 =	vld.idx.msk [tilespmem:v3+s11+$0x0], $0xffff;
	[tilespmem:s24+$0x0] =	vst v10  }
0x1b2: {  	s26 =	simm.s32 $0xA760;
	[tilespmem:s25+$0x10] =	vst v4;
	v4 =	vld.idx.msk [tilespmem:v6+s13+$0x0], $0xffff  }
0x1b3: {  	[tilespmem:s26+$0x10] =	vst v13;
	v6 =	vld.idx.msk [tilespmem:v9+s13+$0x0], $0xffff  }
0x1b4: {  	s28 =	simm.s32 $0x4;
	s29 =	simm.s32 $0x27A0;
	[tilespmem:s26+$0xFFFFFFF0] =	vst v14;
	v9 =	vld.idx.msk [tilespmem:v2+s12+$0x0], $0xffff  }
.LBB2_8:
0x1b5: {  	v10 =	vld [tilespmem:s29+$0x10];
	s28 =	sadd.s32 $0x4, s28;
	[tilespmem:s26+$0x0] =	vst v5  }
0x1b6: {  	v11 =	vld [tilespmem:s29+$0xFFFFFFF0];
	p0 =	slt.u32 s28, $0x1FC;
	[tilespmem:s26+$0xFFFFFFE0] =	vst v8  }
0x1b7: {  	v12 =	vld [tilespmem:s29+$0x0];
	[tilespmem:s25+$0xFFFFFFE0] =	vst v7  }
0x1b8: {  	v13 =	vld [tilespmem:s29+$0xFFFFFFE0];
	[tilespmem:s25+$0xFFFFFFF0] =	vst v4  }
0x1b9: {  	s24 =	sadd.s32 $0x40, s24;
	v4 =	vld.idx.msk [tilespmem:v3+s12+$0x0], $0xffff;
	[tilespmem:s25+$0x0] =	vst v6  }
0x1ba: {  	v6 =	vld.idx.msk [tilespmem:v1+s12+$0x0], $0xffff;
	[tilespmem:s24+$0x10] =	vst v9  }
0x1bb: {  	v9 =	vld.idx.msk [tilespmem:v2+s13+$0x0], $0xffff;
	v2 =	vmov v10  }
0x1bc: {  	v14 =	vld.idx.msk [tilespmem:v0+s12+$0x0], $0xffff  }
0x1bd: {  	v10 =	vld.idx.msk [tilespmem:v10+s11+$0x0], $0xffff  }
0x1be: {  	v15 =	vld.idx.msk [tilespmem:v11+s11+$0x0], $0xffff  }
0x1bf: {  	v5 =	vld.idx.msk [tilespmem:v12+s11+$0x0], $0xffff;
	[tilespmem:s24+$0xFFFFFFE0] =	vst v4  }
.Ltmp3:
0x1c0: {  	s25 =	sadd.s32 $0x40, s25;
	v8 =	vld.idx.msk [tilespmem:v13+s11+$0x0], $0xffff;
	[tilespmem:s24+$0xFFFFFFF0] =	vst v6;
	(pc) =	sbr.rel @p0 .LBB2_8-.Ltmp3, $4  }
0x1c1: {  	v7 =	vld.idx.msk [tilespmem:v3+s13+$0x0], $0xffff;
	[tilespmem:s25+$0x10] =	vst v9;
	v3 =	vmov v13  }
0x1c2: {  	s26 =	sadd.s32 $0x40, s26;
	v4 =	vld.idx.msk [tilespmem:v1+s13+$0x0], $0xffff;
	[tilespmem:s24+$0x0] =	vst v14;
	v1 =	vmov v11  }
0x1c3: {  	[tilespmem:s26+$0x10] =	vst v10;
	v6 =	vld.idx.msk [tilespmem:v0+s13+$0x0], $0xffff;
	v0 =	vmov v12  }
0x1c4: {  	s29 =	sadd.s32 $0x40, s29;
	[tilespmem:s26+$0xFFFFFFF0] =	vst v15;
	v9 =	vld.idx.msk [tilespmem:v2+s12+$0x0], $0xffff  }
0x1c5: {  	_ =	sdelay $0x2  }
0x1c6: {  	[tilespmem:s26+$0xFFFFFFE0] =	vst v8  }
0x1c7: {  	[tilespmem:s26+$0x0] =	vst v5;
	v5 =	vld.idx.msk [tilespmem:v1+s12+$0x0], $0xffff  }
0x1c8: {  	v8 =	vld.idx.msk [tilespmem:v3+s12+$0x0], $0xffff  }
0x1c9: {  	v10 =	vld.idx.msk [tilespmem:v0+s12+$0x0], $0xffff  }
0x1ca: {  	s24 =	sadd.s32 $0x40, s24;
	[tilespmem:s25+$0xFFFFFFE0] =	vst v7  }
0x1cb: {  	[tilespmem:s24+$0x10] =	vst v9  }
0x1cc: {  	v2 =	vld.idx.msk [tilespmem:v2+s13+$0x0], $0xffff;
	[tilespmem:s24+$0xFFFFFFF0] =	vst v5  }
0x1cd: {  	[tilespmem:s24+$0xFFFFFFE0] =	vst v8;
	v1 =	vld.idx.msk [tilespmem:v1+s13+$0x0], $0xffff  }
0x1ce: {  	[tilespmem:s24+$0x0] =	vst v10;
	v3 =	vld.idx.msk [tilespmem:v3+s13+$0x0], $0xffff  }
0x1cf: {  	[tilespmem:s25+$0xFFFFFFF0] =	vst v4;
	v0 =	vld.idx.msk [tilespmem:v0+s13+$0x0], $0xffff  }
0x1d0: {  	[tilespmem:s25+$0x0] =	vst v6;
	s25 =	sadd.s32 $0x40, s25  }
0x1d1: {  	[tilespmem:s25+$0x10] =	vst v2  }
0x1d2: {  	[tilespmem:s25+$0xFFFFFFF0] =	vst v1  }
0x1d3: {  	[tilespmem:s25+$0xFFFFFFE0] =	vst v3  }
0x1d4: {  	[tilespmem:s25+$0x0] =	vst v0  }
0x1d5: {  	s24 =	rddreg [dreg:$0x16]  }
0x1d6: {  	[hbm4b:s24+s9] =	stream.linear.scatter [tilespmem:s18], [sflag:$0x4], $0x2000, $0x38;
	[tilespmem:$0x10700] =	vst v63  }
0x1d7: {  	s26 =	rddreg [dreg:$0x17]  }
0x1d8: {  	[hbm4b:s26+s9] =	stream.linear.scatter [tilespmem:s19], [sflag:$0x4], $0x2000, $0x38;
	[tilespmem:$0x10700] =	vst v63  }
0x1d9: {  	s25 =	rddreg [dreg:$0x18]  }
0x1da: {  	[hbm4b:s25+s9] =	stream.linear.scatter [tilespmem:s20], [sflag:$0x4], $0x2000, $0x38;
	[tilespmem:$0x10700] =	vst v63  }
0x1db: {  	s26 =	rddreg [dreg:$0xa]  }
0x1dc: {  	[tilespmem:s8], [sflag:$0x2] =	stream.linear.gather [hbm4b:s26+s9], $0x2000, $0x38;
	[tilespmem:$0x10700] =	vst v63  }
0x1dd: {  	_ =	swait.ge [sflag:s10], $0x2000  }
0x1de: {  	[sflag:s10] =	ssyncset.done $0x0  }
0x1df: {  	[sflag:s10] =	ssyncadd.s32 $0xFFFFE000  }
0x1e0: {  	_ =	swait.ge [sflag:s21], $0x2000  }
0x1e1: {  	[sflag:s21] =	ssyncset.done $0x0  }
0x1e2: {  	[sflag:s21] =	ssyncadd.s32 $0xFFFFE000  }
0x1e3: {  	_ =	swait.ge [sflag:s21], $0x2000  }
0x1e4: {  	[sflag:s21] =	ssyncset.done $0x0  }
0x1e5: {  	[sflag:s21] =	ssyncadd.s32 $0xFFFFE000  }
0x1e6: {  	_ =	swait.ge [sflag:s21], $0x2000  }
0x1e7: {  	[sflag:s21] =	ssyncset.done $0x0  }
0x1e8: {  	s25 =	simm.s32 $0x720;
	[sflag:s21] =	ssyncadd.s32 $0xFFFFE000  }
0x1e9: {  	v4 =	vld [tilespmem:s25+$0x10];
	_ =	sdelay $0x1  }
0x1ea: {  	v7 =	vld [tilespmem:s25+$0xFFFFFFE0]  }
0x1eb: {  	v6 =	vld [tilespmem:s25+$0xFFFFFFF0]  }
0x1ec: {  	v9 =	vld [tilespmem:s25+$0x0];
	_ =	sdelay $0x1  }
0x1ed: {  	s26 =	simm.s32 $0x760  }
0x1ee: {  	v2 =	vld [tilespmem:s26+$0x10]  }
0x1ef: {  	v0 =	vld.idx.msk [tilespmem:v4+s11+$0x0], $0xffff  }
0x1f0: {  	v1 =	vld [tilespmem:s26+$0xFFFFFFF0]  }
0x1f1: {  	v3 =	vld.idx.msk [tilespmem:v7+s11+$0x0], $0xffff  }
0x1f2: {  	v5 =	vld.idx.msk [tilespmem:v6+s11+$0x0], $0xffff  }
0x1f3: {  	s25 =	simm.s32 $0x4720;
	v8 =	vld.idx.msk [tilespmem:v9+s11+$0x0], $0xffff  }
0x1f4: {  	[tilespmem:s25+$0x10] =	vst v0;
	v0 =	vld [tilespmem:s26+$0x0]  }
0x1f5: {  	v10 =	vld.idx.msk [tilespmem:v4+s12+$0x0], $0xffff  }
0x1f6: {  	[tilespmem:s25+$0xFFFFFFE0] =	vst v3;
	v3 =	vld [tilespmem:s26+$0xFFFFFFE0]  }
0x1f7: {  	v11 =	vld.idx.msk [tilespmem:v7+s12+$0x0], $0xffff  }
0x1f8: {  	v13 =	vld.idx.msk [tilespmem:v2+s11+$0x0], $0xffff;
	[tilespmem:s25+$0xFFFFFFF0] =	vst v5  }
0x1f9: {  	s24 =	simm.s32 $0x6720;
	[tilespmem:s25+$0x0] =	vst v8;
	v12 =	vld.idx.msk [tilespmem:v6+s12+$0x0], $0xffff  }
0x1fa: {  	[tilespmem:s24+$0x10] =	vst v10;
	v10 =	vld.idx.msk [tilespmem:v9+s12+$0x0], $0xffff  }
0x1fb: {  	v4 =	vld.idx.msk [tilespmem:v4+s13+$0x0], $0xffff  }
0x1fc: {  	v14 =	vld.idx.msk [tilespmem:v1+s11+$0x0], $0xffff;
	[tilespmem:s24+$0xFFFFFFE0] =	vst v11  }
0x1fd: {  	v7 =	vld.idx.msk [tilespmem:v7+s13+$0x0], $0xffff  }
0x1fe: {  	[tilespmem:s24+$0xFFFFFFF0] =	vst v12;
	v5 =	vld.idx.msk [tilespmem:v0+s11+$0x0], $0xffff  }
0x1ff: {  	s25 =	simm.s32 $0x8720;
	v8 =	vld.idx.msk [tilespmem:v3+s11+$0x0], $0xffff;
	[tilespmem:s24+$0x0] =	vst v10  }
0x200: {  	s26 =	simm.s32 $0x4760;
	[tilespmem:s25+$0x10] =	vst v4;
	v4 =	vld.idx.msk [tilespmem:v6+s13+$0x0], $0xffff  }
0x201: {  	[tilespmem:s26+$0x10] =	vst v13;
	v6 =	vld.idx.msk [tilespmem:v9+s13+$0x0], $0xffff  }
0x202: {  	s28 =	simm.s32 $0x4;
	s29 =	simm.s32 $0x7A0;
	[tilespmem:s26+$0xFFFFFFF0] =	vst v14;
	v9 =	vld.idx.msk [tilespmem:v2+s12+$0x0], $0xffff  }
.LBB2_10:
0x203: {  	v10 =	vld [tilespmem:s29+$0x10];
	s28 =	sadd.s32 $0x4, s28;
	[tilespmem:s26+$0x0] =	vst v5  }
0x204: {  	v11 =	vld [tilespmem:s29+$0xFFFFFFF0];
	p0 =	slt.u32 s28, $0x1FC;
	[tilespmem:s26+$0xFFFFFFE0] =	vst v8  }
0x205: {  	v12 =	vld [tilespmem:s29+$0x0];
	[tilespmem:s25+$0xFFFFFFE0] =	vst v7  }
0x206: {  	v13 =	vld [tilespmem:s29+$0xFFFFFFE0];
	[tilespmem:s25+$0xFFFFFFF0] =	vst v4  }
0x207: {  	s24 =	sadd.s32 $0x40, s24;
	v4 =	vld.idx.msk [tilespmem:v3+s12+$0x0], $0xffff;
	[tilespmem:s25+$0x0] =	vst v6  }
0x208: {  	v6 =	vld.idx.msk [tilespmem:v1+s12+$0x0], $0xffff;
	[tilespmem:s24+$0x10] =	vst v9  }
0x209: {  	v9 =	vld.idx.msk [tilespmem:v2+s13+$0x0], $0xffff;
	v2 =	vmov v10  }
0x20a: {  	v14 =	vld.idx.msk [tilespmem:v0+s12+$0x0], $0xffff  }
0x20b: {  	v10 =	vld.idx.msk [tilespmem:v10+s11+$0x0], $0xffff  }
0x20c: {  	v15 =	vld.idx.msk [tilespmem:v11+s11+$0x0], $0xffff  }
0x20d: {  	v5 =	vld.idx.msk [tilespmem:v12+s11+$0x0], $0xffff;
	[tilespmem:s24+$0xFFFFFFE0] =	vst v4  }
.Ltmp4:
0x20e: {  	s25 =	sadd.s32 $0x40, s25;
	v8 =	vld.idx.msk [tilespmem:v13+s11+$0x0], $0xffff;
	[tilespmem:s24+$0xFFFFFFF0] =	vst v6;
	(pc) =	sbr.rel @p0 .LBB2_10-.Ltmp4, $4  }
0x20f: {  	v7 =	vld.idx.msk [tilespmem:v3+s13+$0x0], $0xffff;
	[tilespmem:s25+$0x10] =	vst v9;
	v3 =	vmov v13  }
0x210: {  	s26 =	sadd.s32 $0x40, s26;
	v4 =	vld.idx.msk [tilespmem:v1+s13+$0x0], $0xffff;
	[tilespmem:s24+$0x0] =	vst v14;
	v1 =	vmov v11  }
0x211: {  	[tilespmem:s26+$0x10] =	vst v10;
	v6 =	vld.idx.msk [tilespmem:v0+s13+$0x0], $0xffff;
	v0 =	vmov v12  }
0x212: {  	s29 =	sadd.s32 $0x40, s29;
	[tilespmem:s26+$0xFFFFFFF0] =	vst v15;
	v9 =	vld.idx.msk [tilespmem:v2+s12+$0x0], $0xffff  }
0x213: {  	_ =	sdelay $0x2  }
0x214: {  	[tilespmem:s26+$0xFFFFFFE0] =	vst v8  }
0x215: {  	[tilespmem:s26+$0x0] =	vst v5;
	v5 =	vld.idx.msk [tilespmem:v1+s12+$0x0], $0xffff  }
0x216: {  	v8 =	vld.idx.msk [tilespmem:v3+s12+$0x0], $0xffff  }
0x217: {  	v10 =	vld.idx.msk [tilespmem:v0+s12+$0x0], $0xffff  }
0x218: {  	s24 =	sadd.s32 $0x40, s24;
	[tilespmem:s25+$0xFFFFFFE0] =	vst v7  }
0x219: {  	[tilespmem:s24+$0x10] =	vst v9  }
0x21a: {  	v2 =	vld.idx.msk [tilespmem:v2+s13+$0x0], $0xffff;
	[tilespmem:s24+$0xFFFFFFF0] =	vst v5  }
0x21b: {  	[tilespmem:s24+$0xFFFFFFE0] =	vst v8;
	v1 =	vld.idx.msk [tilespmem:v1+s13+$0x0], $0xffff  }
0x21c: {  	[tilespmem:s24+$0x0] =	vst v10;
	v3 =	vld.idx.msk [tilespmem:v3+s13+$0x0], $0xffff  }
0x21d: {  	[tilespmem:s25+$0xFFFFFFF0] =	vst v4;
	v0 =	vld.idx.msk [tilespmem:v0+s13+$0x0], $0xffff  }
0x21e: {  	[tilespmem:s25+$0x0] =	vst v6;
	s25 =	sadd.s32 $0x40, s25  }
0x21f: {  	[tilespmem:s25+$0x10] =	vst v2  }
0x220: {  	[tilespmem:s25+$0xFFFFFFF0] =	vst v1  }
0x221: {  	[tilespmem:s25+$0xFFFFFFE0] =	vst v3  }
0x222: {  	[tilespmem:s25+$0x0] =	vst v0  }
0x223: {  	s24 =	rddreg [dreg:$0x19]  }
0x224: {  	[hbm4b:s24+s9] =	stream.linear.scatter [tilespmem:s14], [sflag:$0x3], $0x2000, $0x38;
	[tilespmem:$0x10700] =	vst v63  }
0x225: {  	s26 =	rddreg [dreg:$0x1a]  }
0x226: {  	[hbm4b:s26+s9] =	stream.linear.scatter [tilespmem:s15], [sflag:$0x3], $0x2000, $0x38;
	[tilespmem:$0x10700] =	vst v63  }
0x227: {  	s25 =	rddreg [dreg:$0x1b]  }
0x228: {  	[hbm4b:s25+s9] =	stream.linear.scatter [tilespmem:s16], [sflag:$0x3], $0x2000, $0x38;
	[tilespmem:$0x10700] =	vst v63  }
0x229: {  	s26 =	rddreg [dreg:$0xb]  }
0x22a: {  	[tilespmem:s5], [sflag:$0x1] =	stream.linear.gather [hbm4b:s26+s9], $0x2000, $0x38;
	[tilespmem:$0x10700] =	vst v63  }
0x22b: {  	_ =	swait.ge [sflag:s17], $0x2000  }
0x22c: {  	[sflag:s17] =	ssyncset.done $0x0  }
0x22d: {  	[sflag:s17] =	ssyncadd.s32 $0xFFFFE000  }
0x22e: {  	_ =	swait.ge [sflag:s22], $0x2000  }
0x22f: {  	[sflag:s22] =	ssyncset.done $0x0  }
0x230: {  	[sflag:s22] =	ssyncadd.s32 $0xFFFFE000  }
0x231: {  	_ =	swait.ge [sflag:s22], $0x2000  }
0x232: {  	[sflag:s22] =	ssyncset.done $0x0  }
0x233: {  	[sflag:s22] =	ssyncadd.s32 $0xFFFFE000  }
0x234: {  	_ =	swait.ge [sflag:s22], $0x2000  }
0x235: {  	[sflag:s22] =	ssyncset.done $0x0  }
0x236: {  	s25 =	simm.s32 $0x2720;
	[sflag:s22] =	ssyncadd.s32 $0xFFFFE000  }
0x237: {  	v4 =	vld [tilespmem:s25+$0x10];
	_ =	sdelay $0x1  }
0x238: {  	v7 =	vld [tilespmem:s25+$0xFFFFFFE0]  }
0x239: {  	v6 =	vld [tilespmem:s25+$0xFFFFFFF0]  }
0x23a: {  	v9 =	vld [tilespmem:s25+$0x0];
	_ =	sdelay $0x1  }
0x23b: {  	s26 =	simm.s32 $0x2760  }
0x23c: {  	v2 =	vld [tilespmem:s26+$0x10]  }
0x23d: {  	v0 =	vld.idx.msk [tilespmem:v4+s11+$0x0], $0xffff  }
0x23e: {  	v1 =	vld [tilespmem:s26+$0xFFFFFFF0]  }
0x23f: {  	v3 =	vld.idx.msk [tilespmem:v7+s11+$0x0], $0xffff  }
0x240: {  	v5 =	vld.idx.msk [tilespmem:v6+s11+$0x0], $0xffff  }
0x241: {  	s25 =	simm.s32 $0xA720;
	v8 =	vld.idx.msk [tilespmem:v9+s11+$0x0], $0xffff  }
0x242: {  	[tilespmem:s25+$0x10] =	vst v0;
	v0 =	vld [tilespmem:s26+$0x0]  }
0x243: {  	v10 =	vld.idx.msk [tilespmem:v4+s12+$0x0], $0xffff  }
0x244: {  	[tilespmem:s25+$0xFFFFFFE0] =	vst v3;
	v3 =	vld [tilespmem:s26+$0xFFFFFFE0]  }
0x245: {  	v11 =	vld.idx.msk [tilespmem:v7+s12+$0x0], $0xffff  }
0x246: {  	v13 =	vld.idx.msk [tilespmem:v2+s11+$0x0], $0xffff;
	[tilespmem:s25+$0xFFFFFFF0] =	vst v5  }
0x247: {  	s24 =	simm.s32 $0xC720;
	[tilespmem:s25+$0x0] =	vst v8;
	v12 =	vld.idx.msk [tilespmem:v6+s12+$0x0], $0xffff  }
0x248: {  	[tilespmem:s24+$0x10] =	vst v10;
	v10 =	vld.idx.msk [tilespmem:v9+s12+$0x0], $0xffff  }
0x249: {  	v4 =	vld.idx.msk [tilespmem:v4+s13+$0x0], $0xffff  }
0x24a: {  	v14 =	vld.idx.msk [tilespmem:v1+s11+$0x0], $0xffff;
	[tilespmem:s24+$0xFFFFFFE0] =	vst v11  }
0x24b: {  	v7 =	vld.idx.msk [tilespmem:v7+s13+$0x0], $0xffff  }
0x24c: {  	[tilespmem:s24+$0xFFFFFFF0] =	vst v12;
	v5 =	vld.idx.msk [tilespmem:v0+s11+$0x0], $0xffff  }
0x24d: {  	s25 =	simm.s32 $0xE720;
	v8 =	vld.idx.msk [tilespmem:v3+s11+$0x0], $0xffff;
	[tilespmem:s24+$0x0] =	vst v10  }
0x24e: {  	s26 =	simm.s32 $0xA760;
	[tilespmem:s25+$0x10] =	vst v4;
	v4 =	vld.idx.msk [tilespmem:v6+s13+$0x0], $0xffff  }
0x24f: {  	[tilespmem:s26+$0x10] =	vst v13;
	v6 =	vld.idx.msk [tilespmem:v9+s13+$0x0], $0xffff  }
0x250: {  	s28 =	simm.s32 $0x4;
	s29 =	simm.s32 $0x27A0;
	[tilespmem:s26+$0xFFFFFFF0] =	vst v14;
	v9 =	vld.idx.msk [tilespmem:v2+s12+$0x0], $0xffff  }
.LBB2_12:
0x251: {  	v10 =	vld [tilespmem:s29+$0x10];
	s28 =	sadd.s32 $0x4, s28;
	[tilespmem:s26+$0x0] =	vst v5  }
0x252: {  	v11 =	vld [tilespmem:s29+$0xFFFFFFF0];
	p0 =	slt.u32 s28, $0x1FC;
	[tilespmem:s26+$0xFFFFFFE0] =	vst v8  }
0x253: {  	v12 =	vld [tilespmem:s29+$0x0];
	[tilespmem:s25+$0xFFFFFFE0] =	vst v7  }
0x254: {  	v13 =	vld [tilespmem:s29+$0xFFFFFFE0];
	[tilespmem:s25+$0xFFFFFFF0] =	vst v4  }
0x255: {  	s24 =	sadd.s32 $0x40, s24;
	v4 =	vld.idx.msk [tilespmem:v3+s12+$0x0], $0xffff;
	[tilespmem:s25+$0x0] =	vst v6  }
0x256: {  	v6 =	vld.idx.msk [tilespmem:v1+s12+$0x0], $0xffff;
	[tilespmem:s24+$0x10] =	vst v9  }
0x257: {  	v9 =	vld.idx.msk [tilespmem:v2+s13+$0x0], $0xffff;
	v2 =	vmov v10  }
0x258: {  	v14 =	vld.idx.msk [tilespmem:v0+s12+$0x0], $0xffff  }
0x259: {  	v10 =	vld.idx.msk [tilespmem:v10+s11+$0x0], $0xffff  }
0x25a: {  	v15 =	vld.idx.msk [tilespmem:v11+s11+$0x0], $0xffff  }
0x25b: {  	v5 =	vld.idx.msk [tilespmem:v12+s11+$0x0], $0xffff;
	[tilespmem:s24+$0xFFFFFFE0] =	vst v4  }
.Ltmp5:
0x25c: {  	s25 =	sadd.s32 $0x40, s25;
	v8 =	vld.idx.msk [tilespmem:v13+s11+$0x0], $0xffff;
	[tilespmem:s24+$0xFFFFFFF0] =	vst v6;
	(pc) =	sbr.rel @p0 .LBB2_12-.Ltmp5, $4  }
0x25d: {  	v7 =	vld.idx.msk [tilespmem:v3+s13+$0x0], $0xffff;
	[tilespmem:s25+$0x10] =	vst v9;
	v3 =	vmov v13  }
0x25e: {  	s26 =	sadd.s32 $0x40, s26;
	v4 =	vld.idx.msk [tilespmem:v1+s13+$0x0], $0xffff;
	[tilespmem:s24+$0x0] =	vst v14;
	v1 =	vmov v11  }
0x25f: {  	[tilespmem:s26+$0x10] =	vst v10;
	v6 =	vld.idx.msk [tilespmem:v0+s13+$0x0], $0xffff;
	v0 =	vmov v12  }
0x260: {  	s29 =	sadd.s32 $0x40, s29;
	[tilespmem:s26+$0xFFFFFFF0] =	vst v15;
	v9 =	vld.idx.msk [tilespmem:v2+s12+$0x0], $0xffff  }
0x261: {  	_ =	sdelay $0x2  }
0x262: {  	[tilespmem:s26+$0xFFFFFFE0] =	vst v8  }
0x263: {  	[tilespmem:s26+$0x0] =	vst v5;
	v5 =	vld.idx.msk [tilespmem:v1+s12+$0x0], $0xffff  }
0x264: {  	v8 =	vld.idx.msk [tilespmem:v3+s12+$0x0], $0xffff  }
0x265: {  	v10 =	vld.idx.msk [tilespmem:v0+s12+$0x0], $0xffff  }
0x266: {  	s24 =	sadd.s32 $0x40, s24;
	[tilespmem:s25+$0xFFFFFFE0] =	vst v7  }
0x267: {  	[tilespmem:s24+$0x10] =	vst v9  }
0x268: {  	v2 =	vld.idx.msk [tilespmem:v2+s13+$0x0], $0xffff;
	[tilespmem:s24+$0xFFFFFFF0] =	vst v5  }
0x269: {  	[tilespmem:s24+$0xFFFFFFE0] =	vst v8;
	v1 =	vld.idx.msk [tilespmem:v1+s13+$0x0], $0xffff  }
0x26a: {  	[tilespmem:s24+$0x0] =	vst v10;
	v3 =	vld.idx.msk [tilespmem:v3+s13+$0x0], $0xffff  }
0x26b: {  	[tilespmem:s25+$0xFFFFFFF0] =	vst v4;
	v0 =	vld.idx.msk [tilespmem:v0+s13+$0x0], $0xffff  }
0x26c: {  	[tilespmem:s25+$0x0] =	vst v6;
	s25 =	sadd.s32 $0x40, s25  }
0x26d: {  	[tilespmem:s25+$0x10] =	vst v2  }
0x26e: {  	[tilespmem:s25+$0xFFFFFFF0] =	vst v1  }
0x26f: {  	[tilespmem:s25+$0xFFFFFFE0] =	vst v3  }
0x270: {  	[tilespmem:s25+$0x0] =	vst v0  }
0x271: {  	s24 =	rddreg [dreg:$0x1c]  }
0x272: {  	[hbm4b:s24+s9] =	stream.linear.scatter [tilespmem:s18], [sflag:$0x4], $0x2000, $0x38;
	[tilespmem:$0x10700] =	vst v63  }
0x273: {  	s26 =	rddreg [dreg:$0x1d]  }
0x274: {  	[hbm4b:s26+s9] =	stream.linear.scatter [tilespmem:s19], [sflag:$0x4], $0x2000, $0x38;
	[tilespmem:$0x10700] =	vst v63  }
0x275: {  	s25 =	rddreg [dreg:$0x1e]  }
0x276: {  	[hbm4b:s25+s9] =	stream.linear.scatter [tilespmem:s20], [sflag:$0x4], $0x2000, $0x38;
	[tilespmem:$0x10700] =	vst v63  }
0x277: {  	s26 =	rddreg [dreg:$0xc]  }
0x278: {  	[tilespmem:s8], [sflag:$0x2] =	stream.linear.gather [hbm4b:s26+s9], $0x2000, $0x38;
	[tilespmem:$0x10700] =	vst v63  }
0x279: {  	_ =	swait.ge [sflag:s10], $0x2000  }
0x27a: {  	[sflag:s10] =	ssyncset.done $0x0  }
0x27b: {  	[sflag:s10] =	ssyncadd.s32 $0xFFFFE000  }
0x27c: {  	_ =	swait.ge [sflag:s21], $0x2000  }
0x27d: {  	[sflag:s21] =	ssyncset.done $0x0  }
0x27e: {  	[sflag:s21] =	ssyncadd.s32 $0xFFFFE000  }
0x27f: {  	_ =	swait.ge [sflag:s21], $0x2000  }
0x280: {  	[sflag:s21] =	ssyncset.done $0x0  }
0x281: {  	[sflag:s21] =	ssyncadd.s32 $0xFFFFE000  }
0x282: {  	_ =	swait.ge [sflag:s21], $0x2000  }
0x283: {  	[sflag:s21] =	ssyncset.done $0x0  }
0x284: {  	s25 =	simm.s32 $0x720;
	[sflag:s21] =	ssyncadd.s32 $0xFFFFE000  }
0x285: {  	v4 =	vld [tilespmem:s25+$0x10];
	_ =	sdelay $0x1  }
0x286: {  	v7 =	vld [tilespmem:s25+$0xFFFFFFE0]  }
0x287: {  	v6 =	vld [tilespmem:s25+$0xFFFFFFF0]  }
0x288: {  	v9 =	vld [tilespmem:s25+$0x0];
	_ =	sdelay $0x1  }
0x289: {  	s26 =	simm.s32 $0x760  }
0x28a: {  	v2 =	vld [tilespmem:s26+$0x10]  }
0x28b: {  	v0 =	vld.idx.msk [tilespmem:v4+s11+$0x0], $0xffff  }
0x28c: {  	v1 =	vld [tilespmem:s26+$0xFFFFFFF0]  }
0x28d: {  	v3 =	vld.idx.msk [tilespmem:v7+s11+$0x0], $0xffff  }
0x28e: {  	v5 =	vld.idx.msk [tilespmem:v6+s11+$0x0], $0xffff  }
0x28f: {  	s25 =	simm.s32 $0x4720;
	v8 =	vld.idx.msk [tilespmem:v9+s11+$0x0], $0xffff  }
0x290: {  	[tilespmem:s25+$0x10] =	vst v0;
	v0 =	vld [tilespmem:s26+$0x0]  }
0x291: {  	v10 =	vld.idx.msk [tilespmem:v4+s12+$0x0], $0xffff  }
0x292: {  	[tilespmem:s25+$0xFFFFFFE0] =	vst v3;
	v3 =	vld [tilespmem:s26+$0xFFFFFFE0]  }
0x293: {  	v11 =	vld.idx.msk [tilespmem:v7+s12+$0x0], $0xffff  }
0x294: {  	v13 =	vld.idx.msk [tilespmem:v2+s11+$0x0], $0xffff;
	[tilespmem:s25+$0xFFFFFFF0] =	vst v5  }
0x295: {  	s24 =	simm.s32 $0x6720;
	[tilespmem:s25+$0x0] =	vst v8;
	v12 =	vld.idx.msk [tilespmem:v6+s12+$0x0], $0xffff  }
0x296: {  	[tilespmem:s24+$0x10] =	vst v10;
	v10 =	vld.idx.msk [tilespmem:v9+s12+$0x0], $0xffff  }
0x297: {  	v4 =	vld.idx.msk [tilespmem:v4+s13+$0x0], $0xffff  }
0x298: {  	v14 =	vld.idx.msk [tilespmem:v1+s11+$0x0], $0xffff;
	[tilespmem:s24+$0xFFFFFFE0] =	vst v11  }
0x299: {  	v7 =	vld.idx.msk [tilespmem:v7+s13+$0x0], $0xffff  }
0x29a: {  	[tilespmem:s24+$0xFFFFFFF0] =	vst v12;
	v5 =	vld.idx.msk [tilespmem:v0+s11+$0x0], $0xffff  }
0x29b: {  	s25 =	simm.s32 $0x8720;
	v8 =	vld.idx.msk [tilespmem:v3+s11+$0x0], $0xffff;
	[tilespmem:s24+$0x0] =	vst v10  }
0x29c: {  	s26 =	simm.s32 $0x4760;
	[tilespmem:s25+$0x10] =	vst v4;
	v4 =	vld.idx.msk [tilespmem:v6+s13+$0x0], $0xffff  }
0x29d: {  	[tilespmem:s26+$0x10] =	vst v13;
	v6 =	vld.idx.msk [tilespmem:v9+s13+$0x0], $0xffff  }
0x29e: {  	s28 =	simm.s32 $0x4;
	s29 =	simm.s32 $0x7A0;
	[tilespmem:s26+$0xFFFFFFF0] =	vst v14;
	v9 =	vld.idx.msk [tilespmem:v2+s12+$0x0], $0xffff  }
.LBB2_14:
0x29f: {  	v10 =	vld [tilespmem:s29+$0x10];
	s28 =	sadd.s32 $0x4, s28;
	[tilespmem:s26+$0x0] =	vst v5  }
0x2a0: {  	v11 =	vld [tilespmem:s29+$0xFFFFFFF0];
	p0 =	slt.u32 s28, $0x1FC;
	[tilespmem:s26+$0xFFFFFFE0] =	vst v8  }
0x2a1: {  	v12 =	vld [tilespmem:s29+$0x0];
	[tilespmem:s25+$0xFFFFFFE0] =	vst v7  }
0x2a2: {  	v13 =	vld [tilespmem:s29+$0xFFFFFFE0];
	[tilespmem:s25+$0xFFFFFFF0] =	vst v4  }
0x2a3: {  	s24 =	sadd.s32 $0x40, s24;
	v4 =	vld.idx.msk [tilespmem:v3+s12+$0x0], $0xffff;
	[tilespmem:s25+$0x0] =	vst v6  }
0x2a4: {  	v6 =	vld.idx.msk [tilespmem:v1+s12+$0x0], $0xffff;
	[tilespmem:s24+$0x10] =	vst v9  }
0x2a5: {  	v9 =	vld.idx.msk [tilespmem:v2+s13+$0x0], $0xffff;
	v2 =	vmov v10  }
0x2a6: {  	v14 =	vld.idx.msk [tilespmem:v0+s12+$0x0], $0xffff  }
0x2a7: {  	v10 =	vld.idx.msk [tilespmem:v10+s11+$0x0], $0xffff  }
0x2a8: {  	v15 =	vld.idx.msk [tilespmem:v11+s11+$0x0], $0xffff  }
0x2a9: {  	v5 =	vld.idx.msk [tilespmem:v12+s11+$0x0], $0xffff;
	[tilespmem:s24+$0xFFFFFFE0] =	vst v4  }
.Ltmp6:
0x2aa: {  	s25 =	sadd.s32 $0x40, s25;
	v8 =	vld.idx.msk [tilespmem:v13+s11+$0x0], $0xffff;
	[tilespmem:s24+$0xFFFFFFF0] =	vst v6;
	(pc) =	sbr.rel @p0 .LBB2_14-.Ltmp6, $4  }
0x2ab: {  	v7 =	vld.idx.msk [tilespmem:v3+s13+$0x0], $0xffff;
	[tilespmem:s25+$0x10] =	vst v9;
	v3 =	vmov v13  }
0x2ac: {  	s26 =	sadd.s32 $0x40, s26;
	v4 =	vld.idx.msk [tilespmem:v1+s13+$0x0], $0xffff;
	[tilespmem:s24+$0x0] =	vst v14;
	v1 =	vmov v11  }
0x2ad: {  	[tilespmem:s26+$0x10] =	vst v10;
	v6 =	vld.idx.msk [tilespmem:v0+s13+$0x0], $0xffff;
	v0 =	vmov v12  }
0x2ae: {  	s29 =	sadd.s32 $0x40, s29;
	[tilespmem:s26+$0xFFFFFFF0] =	vst v15;
	v9 =	vld.idx.msk [tilespmem:v2+s12+$0x0], $0xffff  }
0x2af: {  	_ =	sdelay $0x2  }
0x2b0: {  	[tilespmem:s26+$0xFFFFFFE0] =	vst v8  }
0x2b1: {  	[tilespmem:s26+$0x0] =	vst v5;
	v5 =	vld.idx.msk [tilespmem:v1+s12+$0x0], $0xffff  }
0x2b2: {  	v8 =	vld.idx.msk [tilespmem:v3+s12+$0x0], $0xffff  }
0x2b3: {  	v10 =	vld.idx.msk [tilespmem:v0+s12+$0x0], $0xffff  }
0x2b4: {  	s24 =	sadd.s32 $0x40, s24;
	[tilespmem:s25+$0xFFFFFFE0] =	vst v7  }
0x2b5: {  	[tilespmem:s24+$0x10] =	vst v9  }
0x2b6: {  	v2 =	vld.idx.msk [tilespmem:v2+s13+$0x0], $0xffff;
	[tilespmem:s24+$0xFFFFFFF0] =	vst v5  }
0x2b7: {  	[tilespmem:s24+$0xFFFFFFE0] =	vst v8;
	v1 =	vld.idx.msk [tilespmem:v1+s13+$0x0], $0xffff  }
0x2b8: {  	[tilespmem:s24+$0x0] =	vst v10;
	v3 =	vld.idx.msk [tilespmem:v3+s13+$0x0], $0xffff  }
0x2b9: {  	[tilespmem:s25+$0xFFFFFFF0] =	vst v4;
	v0 =	vld.idx.msk [tilespmem:v0+s13+$0x0], $0xffff  }
0x2ba: {  	s26 =	sadd.s32 $0x40, s25;
	[tilespmem:s25+$0x0] =	vst v6  }
0x2bb: {  	[tilespmem:s26+$0x10] =	vst v2  }
0x2bc: {  	[tilespmem:s26+$0xFFFFFFF0] =	vst v1  }
0x2bd: {  	[tilespmem:s26+$0xFFFFFFE0] =	vst v3  }
0x2be: {  	[tilespmem:s26+$0x0] =	vst v0  }
0x2bf: {  	s24 =	rddreg [dreg:$0x1f]  }
0x2c0: {  	[hbm4b:s24+s9] =	stream.linear.scatter [tilespmem:s14], [sflag:$0x3], $0x2000, $0x38;
	[tilespmem:$0x10700] =	vst v63  }
0x2c1: {  	_ = 	snop  }
0x2c2: {  	[hbm4b:s30+s9] =	stream.linear.scatter [tilespmem:s15], [sflag:$0x3], $0x2000, $0x38;
	[tilespmem:$0x10700] =	vst v63  }
0x2c3: {  	_ = 	snop  }
0x2c4: {  	[hbm4b:s31+s9] =	stream.linear.scatter [tilespmem:s16], [sflag:$0x3], $0x2000, $0x38;
	[tilespmem:$0x10700] =	vst v63  }
0x2c5: {  	_ =	swait.ge [sflag:s17], $0x2000  }
0x2c6: {  	[sflag:s17] =	ssyncset.done $0x0  }
0x2c7: {  	[sflag:s17] =	ssyncadd.s32 $0xFFFFE000  }
0x2c8: {  	_ =	swait.ge [sflag:s22], $0x2000  }
0x2c9: {  	[sflag:s22] =	ssyncset.done $0x0  }
0x2ca: {  	[sflag:s22] =	ssyncadd.s32 $0xFFFFE000  }
0x2cb: {  	_ =	swait.ge [sflag:s22], $0x2000  }
0x2cc: {  	[sflag:s22] =	ssyncset.done $0x0  }
0x2cd: {  	[sflag:s22] =	ssyncadd.s32 $0xFFFFE000  }
0x2ce: {  	_ =	swait.ge [sflag:s22], $0x2000  }
0x2cf: {  	[sflag:s22] =	ssyncset.done $0x0  }
0x2d0: {  	s25 =	simm.s32 $0x2720;
	[sflag:s22] =	ssyncadd.s32 $0xFFFFE000  }
0x2d1: {  	v4 =	vld [tilespmem:s25+$0x10];
	_ =	sdelay $0x1  }
0x2d2: {  	v7 =	vld [tilespmem:s25+$0xFFFFFFE0]  }
0x2d3: {  	v6 =	vld [tilespmem:s25+$0xFFFFFFF0]  }
0x2d4: {  	v9 =	vld [tilespmem:s25+$0x0];
	_ =	sdelay $0x1  }
0x2d5: {  	s26 =	simm.s32 $0x2760  }
0x2d6: {  	v2 =	vld [tilespmem:s26+$0x10]  }
0x2d7: {  	v0 =	vld.idx.msk [tilespmem:v4+s11+$0x0], $0xffff  }
0x2d8: {  	v1 =	vld [tilespmem:s26+$0xFFFFFFF0]  }
0x2d9: {  	v3 =	vld.idx.msk [tilespmem:v7+s11+$0x0], $0xffff  }
0x2da: {  	v5 =	vld.idx.msk [tilespmem:v6+s11+$0x0], $0xffff  }
0x2db: {  	s25 =	simm.s32 $0xA720;
	v8 =	vld.idx.msk [tilespmem:v9+s11+$0x0], $0xffff  }
0x2dc: {  	[tilespmem:s25+$0x10] =	vst v0;
	v0 =	vld [tilespmem:s26+$0x0]  }
0x2dd: {  	v10 =	vld.idx.msk [tilespmem:v4+s12+$0x0], $0xffff  }
0x2de: {  	[tilespmem:s25+$0xFFFFFFE0] =	vst v3;
	v3 =	vld [tilespmem:s26+$0xFFFFFFE0]  }
0x2df: {  	v11 =	vld.idx.msk [tilespmem:v7+s12+$0x0], $0xffff  }
0x2e0: {  	v13 =	vld.idx.msk [tilespmem:v2+s11+$0x0], $0xffff;
	[tilespmem:s25+$0xFFFFFFF0] =	vst v5  }
0x2e1: {  	s24 =	simm.s32 $0xC720;
	[tilespmem:s25+$0x0] =	vst v8;
	v12 =	vld.idx.msk [tilespmem:v6+s12+$0x0], $0xffff  }
0x2e2: {  	[tilespmem:s24+$0x10] =	vst v10;
	v10 =	vld.idx.msk [tilespmem:v9+s12+$0x0], $0xffff  }
0x2e3: {  	v4 =	vld.idx.msk [tilespmem:v4+s13+$0x0], $0xffff  }
0x2e4: {  	v14 =	vld.idx.msk [tilespmem:v1+s11+$0x0], $0xffff;
	[tilespmem:s24+$0xFFFFFFE0] =	vst v11  }
0x2e5: {  	v7 =	vld.idx.msk [tilespmem:v7+s13+$0x0], $0xffff  }
0x2e6: {  	[tilespmem:s24+$0xFFFFFFF0] =	vst v12;
	v5 =	vld.idx.msk [tilespmem:v0+s11+$0x0], $0xffff  }
0x2e7: {  	s25 =	simm.s32 $0xE720;
	v8 =	vld.idx.msk [tilespmem:v3+s11+$0x0], $0xffff;
	[tilespmem:s24+$0x0] =	vst v10  }
0x2e8: {  	s26 =	simm.s32 $0xA760;
	[tilespmem:s25+$0x10] =	vst v4;
	v4 =	vld.idx.msk [tilespmem:v6+s13+$0x0], $0xffff  }
0x2e9: {  	[tilespmem:s26+$0x10] =	vst v13;
	v6 =	vld.idx.msk [tilespmem:v9+s13+$0x0], $0xffff  }
0x2ea: {  	s28 =	simm.s32 $0x4;
	s29 =	simm.s32 $0x27A0;
	[tilespmem:s26+$0xFFFFFFF0] =	vst v14;
	v9 =	vld.idx.msk [tilespmem:v2+s12+$0x0], $0xffff  }
.LBB2_16:
0x2eb: {  	v10 =	vld [tilespmem:s29+$0x10];
	s28 =	sadd.s32 $0x4, s28;
	[tilespmem:s26+$0x0] =	vst v5  }
0x2ec: {  	v11 =	vld [tilespmem:s29+$0xFFFFFFF0];
	p0 =	slt.u32 s28, $0x1FC;
	[tilespmem:s26+$0xFFFFFFE0] =	vst v8  }
0x2ed: {  	v12 =	vld [tilespmem:s29+$0x0];
	[tilespmem:s25+$0xFFFFFFE0] =	vst v7  }
0x2ee: {  	v13 =	vld [tilespmem:s29+$0xFFFFFFE0];
	[tilespmem:s25+$0xFFFFFFF0] =	vst v4  }
0x2ef: {  	s24 =	sadd.s32 $0x40, s24;
	v4 =	vld.idx.msk [tilespmem:v3+s12+$0x0], $0xffff;
	[tilespmem:s25+$0x0] =	vst v6  }
0x2f0: {  	v6 =	vld.idx.msk [tilespmem:v1+s12+$0x0], $0xffff;
	[tilespmem:s24+$0x10] =	vst v9  }
0x2f1: {  	v9 =	vld.idx.msk [tilespmem:v2+s13+$0x0], $0xffff;
	v2 =	vmov v10  }
0x2f2: {  	v14 =	vld.idx.msk [tilespmem:v0+s12+$0x0], $0xffff  }
0x2f3: {  	v10 =	vld.idx.msk [tilespmem:v10+s11+$0x0], $0xffff  }
0x2f4: {  	v15 =	vld.idx.msk [tilespmem:v11+s11+$0x0], $0xffff  }
0x2f5: {  	v5 =	vld.idx.msk [tilespmem:v12+s11+$0x0], $0xffff;
	[tilespmem:s24+$0xFFFFFFE0] =	vst v4  }
.Ltmp7:
0x2f6: {  	s25 =	sadd.s32 $0x40, s25;
	v8 =	vld.idx.msk [tilespmem:v13+s11+$0x0], $0xffff;
	[tilespmem:s24+$0xFFFFFFF0] =	vst v6;
	(pc) =	sbr.rel @p0 .LBB2_16-.Ltmp7, $4  }
0x2f7: {  	v7 =	vld.idx.msk [tilespmem:v3+s13+$0x0], $0xffff;
	[tilespmem:s25+$0x10] =	vst v9;
	v3 =	vmov v13  }
0x2f8: {  	s26 =	sadd.s32 $0x40, s26;
	v4 =	vld.idx.msk [tilespmem:v1+s13+$0x0], $0xffff;
	[tilespmem:s24+$0x0] =	vst v14;
	v1 =	vmov v11  }
0x2f9: {  	[tilespmem:s26+$0x10] =	vst v10;
	v6 =	vld.idx.msk [tilespmem:v0+s13+$0x0], $0xffff;
	v0 =	vmov v12  }
0x2fa: {  	s29 =	sadd.s32 $0x40, s29;
	[tilespmem:s26+$0xFFFFFFF0] =	vst v15;
	v9 =	vld.idx.msk [tilespmem:v2+s12+$0x0], $0xffff  }
0x2fb: {  	_ =	sdelay $0x3  }
0x2fc: {  	[tilespmem:s26+$0xFFFFFFE0] =	vst v8;
	v60 =	vld.idx.msk [tilespmem:v1+s12+$0x0], $0xffff  }
0x2fd: {  	[tilespmem:s26+$0x0] =	vst v5;
	v8 =	vld.idx.msk [tilespmem:v3+s12+$0x0], $0xffff  }
0x2fe: {  	v10 =	vld.idx.msk [tilespmem:v0+s12+$0x0], $0xffff  }
0x2ff: {  	s24 =	sadd.s32 $0x40, s24;
	[tilespmem:s25+$0xFFFFFFE0] =	vst v7  }
0x300: {  	[tilespmem:s24+$0x10] =	vst v9  }
0x301: {  	v2 =	vld.idx.msk [tilespmem:v2+s13+$0x0], $0xffff;
	[tilespmem:s24+$0xFFFFFFF0] =	vst v60  }
0x302: {  	[tilespmem:s24+$0xFFFFFFE0] =	vst v8;
	v62 =	vld.idx.msk [tilespmem:v1+s13+$0x0], $0xffff  }
0x303: {  	[tilespmem:s24+$0x0] =	vst v10;
	v61 =	vld.idx.msk [tilespmem:v3+s13+$0x0], $0xffff  }
0x304: {  	[tilespmem:s25+$0xFFFFFFF0] =	vst v4;
	v63 =	vld.idx.msk [tilespmem:v0+s13+$0x0], $0xffff  }
0x305: {  	s29 =	sadd.s32 $0x40, s25;
	[tilespmem:s25+$0x0] =	vst v6  }
0x306: {  	[tilespmem:s29+$0x10] =	vst v2  }
0x307: {  	[tilespmem:s29+$0xFFFFFFF0] =	vst v62  }
0x308: {  	[tilespmem:s29+$0xFFFFFFE0] =	vst v61  }
0x309: {  	[tilespmem:s29+$0x0] =	vst v63  }
0x30a: {  	[hbm4b:s0+s9] =	stream.linear.scatter [tilespmem:s18], [sflag:$0x4], $0x2000, $0x38;
	[tilespmem:$0x10700] =	vst v63  }
0x30b: {  	_ = 	snop  }
0x30c: {  	[hbm4b:s1+s9] =	stream.linear.scatter [tilespmem:s19], [sflag:$0x4], $0x2000, $0x38;
	[tilespmem:$0x10700] =	vst v63  }
0x30d: {  	_ = 	snop  }
0x30e: {  	[hbm4b:s2+s9] =	stream.linear.scatter [tilespmem:s20], [sflag:$0x4], $0x2000, $0x38;
	[tilespmem:$0x10700] =	vst v63  }
0x30f: {  	_ =	swait.ge [sflag:s21], $0x2000  }
0x310: {  	[sflag:s21] =	ssyncset.done $0x0  }
0x311: {  	[sflag:s21] =	ssyncadd.s32 $0xFFFFE000  }
0x312: {  	_ =	swait.ge [sflag:s21], $0x2000  }
0x313: {  	[sflag:s21] =	ssyncset.done $0x0  }
0x314: {  	[sflag:s21] =	ssyncadd.s32 $0xFFFFE000  }
0x315: {  	_ =	swait.ge [sflag:s21], $0x2000  }
0x316: {  	[sflag:s21] =	ssyncset.done $0x0  }
0x317: {  	[sflag:s21] =	ssyncadd.s32 $0xFFFFE000  }
0x318: {  	_ =	swait.ge [sflag:s22], $0x2000  }
0x319: {  	[sflag:s22] =	ssyncset.done $0x0  }
0x31a: {  	s23 =	sadd.s32 $0x1, s23;
	[sflag:s22] =	ssyncadd.s32 $0xFFFFE000  }
0x31b: {  	p0 =	sne.s32 s23, s4;
	_ =	swait.ge [sflag:s22], $0x2000  }
.Ltmp8:
0x31c: {  	[sflag:s22] =	ssyncset.done $0x0;
	(pc) =	sbr.rel @p0 .LBB2_1-.Ltmp8, $4  }
0x31d: {  	[sflag:s22] =	ssyncadd.s32 $0xFFFFE000  }
0x31e: {  	_ =	swait.ge [sflag:s22], $0x2000  }
0x31f: {  	[sflag:s22] =	ssyncset.done $0x0  }
0x320: {  	[sflag:s22] =	ssyncadd.s32 $0xFFFFE000  }
0x321: {  	_ =	sfence.sel $0x180000  }
0x322: {  	[bflag:$0x0] =	sbarrier.arrive $0xFFFF  }
0x323: {  	_ =	strace $0x90000047  }
0x324: {  	s0 =	stileid.u32;
	[bflag:$0x2] =	sbarrier.arrive $0xFFFF  }
0x325: {  	p0 =	sne.s32 s0, $0x0;
	s0 =	rddreg [dreg:$0x4]  }
0x326: {  	s0 =	sadd.s32 @!p0 $0x100000, s0  }
0x327: {  	[sflag:s0] =	ssyncadd.tile.s32 @!p0 $0x1;
	_ =	shalt  }
.Lfunc_end2:
_tile_overlayer_lowered:
.L_overlay_start_2:
0x328: {  	(tag) =	ssettag $0x2  }
0x329: {  	s0 =	rddreg [dreg:$0x0];
	s2 =	stileid.u32  }
0x32a: {  	s1 =	rddreg [dreg:$0x1];
	p0 =	sne.s32 s2, $0x0  }
0x32b: {  	s3 =	rddreg [dreg:$0x2];
	[bflag:$0x3] =	sbarrier.arrive $0xFFFF;
	s2 =	simm.s32 @!p0 $0x1C05  }
0x32c: {  	[timem:s3], [sflag:s2] =	dma.local @!p0 [hbm:s0], s1  }
0x32d: {  	s0 =	simm.s32 @!p0 $0x5  }
0x32e: {  	_ =	swait.ge @!p0 [sflag:s0], s1  }
0x32f: {  	s1 =	ssub.s32 @!p0 $0x0, s1;
	[sflag:s0] =	ssyncset.done @!p0 $0x0  }
0x330: {  	[sflag:s0] =	ssyncadd.s32 @!p0 s1  }
0x331: {  	[bflag:$0x3] =	sbarrier.arrive $0xFFFF  }
0x332: {  	_ =	shalt  }

</sc_bundles>
